<compile_context>
chip_gen: v7x
topology: tpu7x:2x2x1
jax: 0.10.2.dev20260603
libtpu: 0.0.44.dev20260713+nightly
codegen_flags: <defaults>
</compile_context>

<pallas_src>
import jax
import jax.numpy as jnp
from jax import lax
from jax.experimental import pallas as pl
from jax.experimental.pallas import tpu as pltpu
from jax.experimental.pallas import tpu_sc as plsc

_EPS = 1e-06
_DT = 0.1
_T0 = 0.0
_NK = 512
_NP = 10000
_NF = 3
_NB = 64

_NC = 2
_NS = 16
_NW = _NC * _NS
_CW = 128
_NCH = _NP // _CW
_TAIL = _NP - _NCH * _CW
_NT = _NF * _NCH
_TMIN = _NT // _NW
_TXTRA = _NT - _TMIN * _NW
_PIECE = 64
_NPIECE = _CW // _PIECE


def _body(s_hbm, w_hbm, k_hbm, out_hbm, s_v, w_v, buf, out_buf, tail_v,
          sem_in, sem_out):
    cid = lax.axis_index("c")
    sid = lax.axis_index("s")
    wid = sid * _NC + cid

    pltpu.sync_copy(s_hbm, s_v)
    pltpu.sync_copy(w_hbm, w_v)

    lanes = lax.iota(jnp.int32, 16)
    rows_g = [g * 16 + lanes for g in range(_PIECE // 16)]

    t0 = wid * _TMIN + jnp.minimum(wid, _TXTRA)
    tend = t0 + _TMIN + jnp.where(wid < _TXTRA, 1, 0)

    def issue_in(t, p, slot):
        f = t // _NCH
        nn = (t - f * _NCH) * _CW
        pltpu.async_copy(
            k_hbm.at[f, pl.ds(nn + p * _PIECE, _PIECE), :], buf.at[slot],
            sem_in.at[slot])

    def wait_in(t, p, slot):
        f = t // _NCH
        nn = (t - f * _NCH) * _CW
        pltpu.make_async_copy(
            k_hbm.at[f, pl.ds(nn + p * _PIECE, _PIECE), :], buf.at[slot],
            sem_in.at[slot]).wait()

    def out_dma(t, slot):
        f = t // _NCH
        nn = (t - f * _NCH) * _CW
        return pltpu.make_async_copy(
            out_buf.at[slot], out_hbm.at[f, :, pl.ds(nn, _CW)],
            sem_out.at[slot])

    qend = 2 * tend
    issue_in(t0, 0, 0)

    def do_piece(q, carry):
        t = q >> 1
        p = q & 1
        slot = q & 1
        tslot = t & 1
        qn = jnp.minimum(q + 1, qend - 1)
        issue_in(qn >> 1, qn & 1, 1 - slot)
        wait_in(t, p, slot)

        @pl.when((p == 0) & (t >= t0 + 2))
        def _():
            out_dma(t - 2, tslot).wait()

        bufs = buf.at[slot]

        @plsc.parallel_loop(0, _NB, step=1, unroll=8)
        def _(b):
            sb = s_v[b >> 3, pl.ds((b & 7) * 16, 16)]
            w1 = w_v[b >> 3, pl.ds((b & 7) * 16, 16)]
            w0 = 1.0 - w1
            sb1 = sb + 1
            for g in range(_PIECE // 16):
                k0 = plsc.load_gather(bufs, [rows_g[g], sb])
                k1 = plsc.load_gather(bufs, [rows_g[g], sb1])
                out_buf[tslot, b, pl.ds(p * _PIECE + g * 16, 16)] = (
                    k0 * w0 + k1 * w1)

        @pl.when(p == 1)
        def _():
            out_dma(t, tslot).start()

        return carry

    lax.fori_loop(2 * t0, qend, do_piece, 0)
    wait_in(tend - 1, 1, 0)
    for sl in range(2):
        out_dma(tend - 2 + sl, (tend - 2 + sl) & 1).wait()

    @pl.when(wid < _NF)
    def _():
        f = wid
        nn = _NCH * _CW
        pltpu.sync_copy(k_hbm.at[f, pl.ds(nn, _TAIL), :], buf.at[0, pl.ds(0, _TAIL), :])

        def tail_b(b, c2):
            sb = s_v[b >> 3, pl.ds((b & 7) * 16, 16)]
            w1 = w_v[b >> 3, pl.ds((b & 7) * 16, 16)]
            w0 = 1.0 - w1
            k0 = plsc.load_gather(buf.at[0], [lanes, sb])
            k1 = plsc.load_gather(buf.at[0], [lanes, sb + 1])
            tail_v[b, :] = k0 * w0 + k1 * w1
            return c2

        lax.fori_loop(0, _NB, tail_b, 0)
        pltpu.sync_copy(tail_v, out_hbm.at[f, :, pl.ds(nn, _TAIL)])


def _sc_spline(s16, w16, kt):
    mesh = plsc.VectorSubcoreMesh(core_axis_name="c", subcore_axis_name="s",
                                  num_cores=_NC, num_subcores=_NS)
    f = pl.kernel(
        _body,
        out_type=jax.ShapeDtypeStruct((_NF, _NB, _NP), jnp.float32),
        mesh=mesh,
        scratch_types=[
            pltpu.VMEM((8, 128), jnp.int32),
            pltpu.VMEM((8, 128), jnp.float32),
            pltpu.VMEM((2, _PIECE, _NK), jnp.float32),
            pltpu.VMEM((2, _NB, _CW), jnp.float32),
            pltpu.VMEM((_NB, _TAIL), jnp.float32),
            pltpu.SemaphoreType.DMA((2,)),
            pltpu.SemaphoreType.DMA((2,)),
        ],
        compiler_params=pltpu.CompilerParams(use_tc_tiling_on_sc=True,
                                             needs_layout_passes=False),
    )
    return f(s16, w16, kt)


def kernel(timestamps, knots):
    t_hi = _T0 + _DT * (_NK - 1)
    ts = jnp.clip(timestamps, _T0 + _EPS, t_hi - _EPS)
    nt = (ts - _T0) / _DT
    s = jnp.floor(nt).astype(jnp.int32)
    u = (nt - s.astype(jnp.float32))
    s16 = jnp.broadcast_to(s[:, None], (_NB, 16)).reshape(8, 128)
    w16 = jnp.broadcast_to(u[:, None], (_NB, 16)).reshape(8, 128)
    kt = jnp.transpose(knots, (2, 0, 1))
    out = _sc_spline(s16, w16, kt)
    return jnp.transpose(out, (1, 2, 0))

# --- scband reference (transcript-rebuilt; emitter-appended) ---
"""Pipeline reference for scband-spline-53910429499787 (READ-ONLY COPY).

The authoritative reference and input builder live on the scoring server;
editing this copy changes nothing except your own understanding.
"""

import jax, jax.numpy as jnp
import numpy as np

_EPS = 1e-06
SAMPLING_INTERVAL = 0.1
START_TIME = 0.0
N_KNOTS = 512
ORDER = 2  # degree 1 -> linear spline, 2 control knots per segment
N_PTS = 10000
N_FEAT = 3
BATCH = 64
T_LOWER = START_TIME
END_TIME = START_TIME + SAMPLING_INTERVAL * (N_KNOTS - 1)
T_UPPER = END_TIME


def setup_inputs(seed: int = 0) -> dict:
    key = jax.random.key(seed)
    k1, k2 = jax.random.split(key)
    # timestamps uniformly covering the valid range [t_lower_bound, t_upper_bound]
    timestamps = jax.random.uniform(k1, (BATCH,), dtype=jnp.float32) * (T_UPPER - T_LOWER) + T_LOWER
    # learned spline control knots for one interp param (e.g. 'xyz'): [N_pts, N_knots, n_feature]
    knots = jax.random.normal(k2, (N_PTS, N_KNOTS, N_FEAT), dtype=jnp.float32)
    return {"timestamps": timestamps, "knots": knots}


def reference(timestamps, knots):
    # Spline.forward with degree=1 (linear interpolation), single param name
    ts = jnp.clip(timestamps, T_LOWER + _EPS, T_UPPER - _EPS)
    batch_size = ts.shape[0]
    relative_time = ts - START_TIME
    normalized_time = relative_time / SAMPLING_INTERVAL
    start_index = jnp.floor(normalized_time).astype(jnp.int32)  # [B]
    u = normalized_time - start_index.astype(normalized_time.dtype)  # [B]
    # indices = start_index[..., None] + arange(order); flatten -> [B*K]
    indices = (start_index[:, None] + jnp.arange(ORDER, dtype=jnp.int32)[None, :]).reshape(-1)
    # segment = knots[:, indices, :] -> [N_pts, B*K, F]
    segment = jnp.take(knots, indices, axis=1)
    n_pts = knots.shape[0]
    n_feat = knots.shape[-1]
    # rearrange 'N (B K) F -> B N K F'
    segment = segment.reshape(n_pts, batch_size, ORDER, n_feat)
    segment = jnp.transpose(segment, (1, 0, 2, 3))  # [B, N, K, F]
    segment = segment.reshape(-1, ORDER, n_feat)  # [B*N, K, F]
    # u.repeat_interleave(N_pts)[..., None] -> [B*N, 1]
    u_rep = jnp.repeat(u, n_pts)[:, None]
    # linear interpolation between the two control knots of the segment
    interp = segment[:, 0, :] * (1.0 - u_rep) + segment[:, 1, :] * u_rep  # [B*N, F]
    return interp.reshape(batch_size, n_pts, n_feat)

if __name__ == "__main__":
    import jax
    _d = setup_inputs()
    print(jax.jit(kernel)(*tuple(_d.values())))

</pallas_src>

<mosaic_0001>
#map = affine_map<(d0, d1) -> (0, 0)>
#map1 = affine_map<(d0, d1) -> (0, 0, 0)>
module attributes {stable_mosaic.version = 14 : i64} {
  func.func @_body(%arg0: i32, %arg1: i32, %arg2: memref<8x128xi32, #tpu.memory_space<hbm>>, %arg3: memref<8x128xf32, #tpu.memory_space<hbm>>, %arg4: memref<3x10000x512xf32, #tpu.memory_space<hbm>>, %arg5: memref<3x64x10000xf32, #tpu.memory_space<hbm>>, %arg6: memref<8x128xi32, #tpu.memory_space<vmem>>, %arg7: memref<8x128xf32, #tpu.memory_space<vmem>>, %arg8: memref<2x64x512xf32, #tpu.memory_space<vmem>>, %arg9: memref<2x64x128xf32, #tpu.memory_space<vmem>>, %arg10: memref<64x16xf32, #tpu.memory_space<vmem>>, %arg11: memref<2x!tpu.dma_semaphore, #tpu.memory_space<semaphore_mem>>, %arg12: memref<2x!tpu.dma_semaphore, #tpu.memory_space<semaphore_mem>>) attributes {dimension_semantics = [#tpu.dimension_semantics<core_parallel>, #tpu.dimension_semantics<subcore_parallel>], iteration_bounds = array<i64: 2, 16>, scalar_prefetch = 0 : i64, scratch_operands = 7 : i64, tpu.core_type = #tpu.core_type<sc_vector_subcore>, window_params = [{transform_indices = #map}, {transform_indices = #map}, {transform_indices = #map1}, {transform_indices = #map1}]} {
    %mul3A = arith.constant 2 : i32
    %mul3A_0 = arith.muli %arg1, %mul3A : i32
    %add3A = arith.addi %mul3A_0, %arg0 : i32
    "tpu.region"() ({
      %run_scoped3A = tpu.sem_alloc : memref<!tpu.dma_semaphore, #tpu.memory_space<semaphore_mem>>
      tpu.enqueue_dma source(%arg2 : memref<8x128xi32, #tpu.memory_space<hbm>>) target(%arg6 : memref<8x128xi32, #tpu.memory_space<vmem>>) target_semaphore(%run_scoped3A : memref<!tpu.dma_semaphore, #tpu.memory_space<semaphore_mem>>)
      tpu.wait_dma2 semaphore(%run_scoped3A : memref<!tpu.dma_semaphore, #tpu.memory_space<semaphore_mem>>) src(%arg2 : memref<8x128xi32, #tpu.memory_space<hbm>>) dst(%arg6 : memref<8x128xi32, #tpu.memory_space<vmem>>)
      tpu.yield
    }) : () -> ()
    "tpu.region"() ({
      %run_scoped3A = tpu.sem_alloc : memref<!tpu.dma_semaphore, #tpu.memory_space<semaphore_mem>>
      tpu.enqueue_dma source(%arg3 : memref<8x128xf32, #tpu.memory_space<hbm>>) target(%arg7 : memref<8x128xf32, #tpu.memory_space<vmem>>) target_semaphore(%run_scoped3A : memref<!tpu.dma_semaphore, #tpu.memory_space<semaphore_mem>>)
      tpu.wait_dma2 semaphore(%run_scoped3A : memref<!tpu.dma_semaphore, #tpu.memory_space<semaphore_mem>>) src(%arg3 : memref<8x128xf32, #tpu.memory_space<hbm>>) dst(%arg7 : memref<8x128xf32, #tpu.memory_space<vmem>>)
      tpu.yield
    }) : () -> ()
    %iota3A = tpu.iota {dimensions = array<i32: 0>} : vector<16xi32>
    %add3A_1 = arith.constant 0 : i32
    %add3A_2 = vector.broadcast %add3A_1 : i32 to vector<16xi32>
    %add3A_3 = arith.addi %add3A_2, %iota3A : vector<16xi32>
    %add3A_4 = arith.constant 16 : i32
    %add3A_5 = vector.broadcast %add3A_4 : i32 to vector<16xi32>
    %add3A_6 = arith.addi %add3A_5, %iota3A : vector<16xi32>
    %add3A_7 = arith.constant 32 : i32
    %add3A_8 = vector.broadcast %add3A_7 : i32 to vector<16xi32>
    %add3A_9 = arith.addi %add3A_8, %iota3A : vector<16xi32>
    %add3A_10 = arith.constant 48 : i32
    %add3A_11 = vector.broadcast %add3A_10 : i32 to vector<16xi32>
    %add3A_12 = arith.addi %add3A_11, %iota3A : vector<16xi32>
    %mul3A_13 = arith.constant 7 : i32
    %mul3A_14 = arith.muli %add3A, %mul3A_13 : i32
    %min3A = arith.constant 10 : i32
    %min3A_15 = arith.minsi %add3A, %min3A : i32
    %add3A_16 = arith.addi %mul3A_14, %min3A_15 : i32
    %add3A_17 = arith.constant 7 : i32
    %add3A_18 = arith.addi %add3A_16, %add3A_17 : i32
    %lt3A = arith.constant 10 : i32
    %lt3A_19 = arith.cmpi slt, %add3A, %lt3A : i32
    %jit3A = arith.constant 1 : i32
    %jit3A_20 = arith.constant 0 : i32
    %select_n3A = arith.select %lt3A_19, %jit3A, %jit3A_20 : i32
    %add3A_21 = arith.addi %add3A_18, %select_n3A : i32
    %mul3A_22 = arith.constant 2 : i32
    %mul3A_23 = arith.muli %mul3A_22, %add3A_21 : i32
    %jit3A_24 = arith.constant 78 : i32
    %div3A = arith.divsi %add3A_16, %jit3A_24 : i32
    %sign3A = arith.constant 0 : i32
    %sign3A_25 = arith.cmpi sgt, %add3A_16, %sign3A : i32
    %sign3A_26 = arith.extui %sign3A_25 : i1 to i32
    %sign3A_27 = arith.constant 0 : i32
    %sign3A_28 = arith.cmpi slt, %add3A_16, %sign3A_27 : i32
    %sign3A_29 = arith.extui %sign3A_28 : i1 to i32
    %sign3A_30 = arith.subi %sign3A_26, %sign3A_29 : i32
    %sign3A_31 = arith.constant 0 : i32
    %sign3A_32 = arith.cmpi sgt, %jit3A_24, %sign3A_31 : i32
    %sign3A_33 = arith.extui %sign3A_32 : i1 to i32
    %sign3A_34 = arith.constant 0 : i32
    %sign3A_35 = arith.cmpi slt, %jit3A_24, %sign3A_34 : i32
    %sign3A_36 = arith.extui %sign3A_35 : i1 to i32
    %sign3A_37 = arith.subi %sign3A_33, %sign3A_36 : i32
    %ne3A = arith.cmpi ne, %sign3A_30, %sign3A_37 : i32
    %rem3A = arith.remsi %add3A_16, %jit3A_24 : i32
    %ne3A_38 = arith.constant 0 : i32
    %ne3A_39 = arith.cmpi ne, %rem3A, %ne3A_38 : i32
    %and3A = arith.andi %ne3A, %ne3A_39 : i1
    %sub3A = arith.constant 1 : i32
    %sub3A_40 = arith.subi %div3A, %sub3A : i32
    %select_n3A_41 = arith.select %and3A, %sub3A_40, %div3A : i32
    %mul3A_42 = arith.constant 78 : i32
    %mul3A_43 = arith.muli %select_n3A_41, %mul3A_42 : i32
    %sub3A_44 = arith.subi %add3A_16, %mul3A_43 : i32
    %mul3A_45 = arith.constant 128 : i32
    %mul3A_46 = arith.muli %sub3A_44, %mul3A_45 : i32
    %add3A_47 = arith.constant 0 : i32
    %add3A_48 = arith.addi %mul3A_46, %add3A_47 : i32
    %dma_start3A = arith.constant 0 : i32
    %dma_start3A_49 = arith.constant 0 : i32
    %dma_start3A_50 = arith.constant 0 : i32
    %dma_start3A_51 = arith.constant 0 : i32
    %dma_start3A_52 = tpu.memref_slice %arg8[%dma_start3A, %dma_start3A_50, %dma_start3A_51] : memref<2x64x512xf32, #tpu.memory_space<vmem>> -> memref<1x64x512xf32, #tpu.memory_space<vmem>>
    %dma_start3A_53 = tpu.memref_squeeze %dma_start3A_52 : memref<1x64x512xf32, #tpu.memory_space<vmem>> -> memref<64x512xf32, #tpu.memory_space<vmem>>
    %dma_start3A_54 = arith.constant 0 : i32
    %dma_start3A_55 = tpu.memref_slice %arg4[%select_n3A_41, %add3A_48, %dma_start3A_54] : memref<3x10000x512xf32, #tpu.memory_space<hbm>> -> memref<1x64x512xf32, #tpu.memory_space<hbm>>
    %dma_start3A_56 = tpu.memref_squeeze %dma_start3A_55 : memref<1x64x512xf32, #tpu.memory_space<hbm>> -> memref<64x512xf32, #tpu.memory_space<hbm>>
    %dma_start3A_57 = tpu.memref_slice %arg11[%dma_start3A_49] : memref<2x!tpu.dma_semaphore, #tpu.memory_space<semaphore_mem>> -> memref<1x!tpu.dma_semaphore, #tpu.memory_space<semaphore_mem>>
    %dma_start3A_58 = tpu.memref_squeeze %dma_start3A_57 : memref<1x!tpu.dma_semaphore, #tpu.memory_space<semaphore_mem>> -> memref<!tpu.dma_semaphore, #tpu.memory_space<semaphore_mem>>
    %dma_start3A_59 = arith.constant 0 : i32
    %dma_start3A_60 = arith.constant 0 : i32
    %dma_start3A_61 = tpu.memref_slice %arg8[%dma_start3A, %dma_start3A_59, %dma_start3A_60] : memref<2x64x512xf32, #tpu.memory_space<vmem>> -> memref<1x64x512xf32, #tpu.memory_space<vmem>>
    %dma_start3A_62 = tpu.memref_squeeze %dma_start3A_61 : memref<1x64x512xf32, #tpu.memory_space<vmem>> -> memref<64x512xf32, #tpu.memory_space<vmem>>
    %dma_start3A_63 = arith.constant 0 : i32
    %dma_start3A_64 = tpu.memref_slice %arg4[%select_n3A_41, %add3A_48, %dma_start3A_63] : memref<3x10000x512xf32, #tpu.memory_space<hbm>> -> memref<1x64x512xf32, #tpu.memory_space<hbm>>
    %dma_start3A_65 = tpu.memref_squeeze %dma_start3A_64 : memref<1x64x512xf32, #tpu.memory_space<hbm>> -> memref<64x512xf32, #tpu.memory_space<hbm>>
    tpu.enqueue_dma source(%dma_start3A_65 : memref<64x512xf32, #tpu.memory_space<hbm>>) target(%dma_start3A_62 : memref<64x512xf32, #tpu.memory_space<vmem>>) target_semaphore(%dma_start3A_58 : memref<!tpu.dma_semaphore, #tpu.memory_space<semaphore_mem>>)
    %mul3A_66 = arith.constant 2 : i32
    %mul3A_67 = arith.muli %mul3A_66, %add3A_16 : i32
    %while3A = arith.constant 0 : i32
    %while3A_68 = arith.subi %mul3A_23, %mul3A_67 : i32
    %while3A_69 = arith.addi %mul3A_67, %while3A_68 : i32
    %while3A_70 = arith.constant 1 : i32
    %while3A_71 = arith.divsi %while3A_68, %while3A_70 : i32
    %while3A_72 = arith.muli %while3A_71, %while3A_70 : i32
    %while3A_73 = arith.addi %mul3A_67, %while3A_72 : i32
    %while3A_74 = arith.constant 1 : i32
    scf.for %while3A_239 = %mul3A_67 to %while3A_73 step %while3A_74  : i32 {
      %shift_right_arithmetic3A = arith.constant 1 : i32
      %shift_right_arithmetic3A_240 = arith.shrsi %while3A_239, %shift_right_arithmetic3A : i32
      %and3A_241 = arith.constant 1 : i32
      %and3A_242 = arith.andi %while3A_239, %and3A_241 : i32
      %and3A_243 = arith.constant 1 : i32
      %and3A_244 = arith.andi %while3A_239, %and3A_243 : i32
      %and3A_245 = arith.constant 1 : i32
      %and3A_246 = arith.andi %shift_right_arithmetic3A_240, %and3A_245 : i32
      %add3A_247 = arith.constant 1 : i32
      %add3A_248 = arith.addi %while3A_239, %add3A_247 : i32
      %sub3A_249 = arith.constant 1 : i32
      %sub3A_250 = arith.subi %mul3A_23, %sub3A_249 : i32
      %min3A_251 = arith.minsi %add3A_248, %sub3A_250 : i32
      %shift_right_arithmetic3A_252 = arith.constant 1 : i32
      %shift_right_arithmetic3A_253 = arith.shrsi %min3A_251, %shift_right_arithmetic3A_252 : i32
      %and3A_254 = arith.constant 1 : i32
      %and3A_255 = arith.andi %min3A_251, %and3A_254 : i32
      %sub3A_256 = arith.constant 1 : i32
      %sub3A_257 = arith.subi %sub3A_256, %and3A_244 : i32
      %jit3A_258 = arith.constant 78 : i32
      %div3A_259 = arith.divsi %shift_right_arithmetic3A_253, %jit3A_258 : i32
      %sign3A_260 = arith.constant 0 : i32
      %sign3A_261 = arith.cmpi sgt, %shift_right_arithmetic3A_253, %sign3A_260 : i32
      %sign3A_262 = arith.extui %sign3A_261 : i1 to i32
      %sign3A_263 = arith.constant 0 : i32
      %sign3A_264 = arith.cmpi slt, %shift_right_arithmetic3A_253, %sign3A_263 : i32
      %sign3A_265 = arith.extui %sign3A_264 : i1 to i32
      %sign3A_266 = arith.subi %sign3A_262, %sign3A_265 : i32
      %sign3A_267 = arith.constant 0 : i32
      %sign3A_268 = arith.cmpi sgt, %jit3A_258, %sign3A_267 : i32
      %sign3A_269 = arith.extui %sign3A_268 : i1 to i32
      %sign3A_270 = arith.constant 0 : i32
      %sign3A_271 = arith.cmpi slt, %jit3A_258, %sign3A_270 : i32
      %sign3A_272 = arith.extui %sign3A_271 : i1 to i32
      %sign3A_273 = arith.subi %sign3A_269, %sign3A_272 : i32
      %ne3A_274 = arith.cmpi ne, %sign3A_266, %sign3A_273 : i32
      %rem3A_275 = arith.remsi %shift_right_arithmetic3A_253, %jit3A_258 : i32
      %ne3A_276 = arith.constant 0 : i32
      %ne3A_277 = arith.cmpi ne, %rem3A_275, %ne3A_276 : i32
      %and3A_278 = arith.andi %ne3A_274, %ne3A_277 : i1
      %sub3A_279 = arith.constant 1 : i32
      %sub3A_280 = arith.subi %div3A_259, %sub3A_279 : i32
      %select_n3A_281 = arith.select %and3A_278, %sub3A_280, %div3A_259 : i32
      %mul3A_282 = arith.constant 78 : i32
      %mul3A_283 = arith.muli %select_n3A_281, %mul3A_282 : i32
      %sub3A_284 = arith.subi %shift_right_arithmetic3A_253, %mul3A_283 : i32
      %mul3A_285 = arith.constant 128 : i32
      %mul3A_286 = arith.muli %sub3A_284, %mul3A_285 : i32
      %mul3A_287 = arith.constant 64 : i32
      %mul3A_288 = arith.muli %and3A_255, %mul3A_287 : i32
      %add3A_289 = arith.addi %mul3A_286, %mul3A_288 : i32
      %dma_start3A_290 = arith.constant 0 : i32
      %dma_start3A_291 = arith.constant 0 : i32
      %dma_start3A_292 = tpu.memref_slice %arg8[%sub3A_257, %dma_start3A_290, %dma_start3A_291] : memref<2x64x512xf32, #tpu.memory_space<vmem>> -> memref<1x64x512xf32, #tpu.memory_space<vmem>>
      %dma_start3A_293 = tpu.memref_squeeze %dma_start3A_292 : memref<1x64x512xf32, #tpu.memory_space<vmem>> -> memref<64x512xf32, #tpu.memory_space<vmem>>
      %dma_start3A_294 = arith.constant 0 : i32
      %dma_start3A_295 = tpu.memref_slice %arg4[%select_n3A_281, %add3A_289, %dma_start3A_294] : memref<3x10000x512xf32, #tpu.memory_space<hbm>> -> memref<1x64x512xf32, #tpu.memory_space<hbm>>
      %dma_start3A_296 = tpu.memref_squeeze %dma_start3A_295 : memref<1x64x512xf32, #tpu.memory_space<hbm>> -> memref<64x512xf32, #tpu.memory_space<hbm>>
      %dma_start3A_297 = tpu.memref_slice %arg11[%sub3A_257] : memref<2x!tpu.dma_semaphore, #tpu.memory_space<semaphore_mem>> -> memref<1x!tpu.dma_semaphore, #tpu.memory_space<semaphore_mem>>
      %dma_start3A_298 = tpu.memref_squeeze %dma_start3A_297 : memref<1x!tpu.dma_semaphore, #tpu.memory_space<semaphore_mem>> -> memref<!tpu.dma_semaphore, #tpu.memory_space<semaphore_mem>>
      %dma_start3A_299 = arith.constant 0 : i32
      %dma_start3A_300 = arith.constant 0 : i32
      %dma_start3A_301 = tpu.memref_slice %arg8[%sub3A_257, %dma_start3A_299, %dma_start3A_300] : memref<2x64x512xf32, #tpu.memory_space<vmem>> -> memref<1x64x512xf32, #tpu.memory_space<vmem>>
      %dma_start3A_302 = tpu.memref_squeeze %dma_start3A_301 : memref<1x64x512xf32, #tpu.memory_space<vmem>> -> memref<64x512xf32, #tpu.memory_space<vmem>>
      %dma_start3A_303 = arith.constant 0 : i32
      %dma_start3A_304 = tpu.memref_slice %arg4[%select_n3A_281, %add3A_289, %dma_start3A_303] : memref<3x10000x512xf32, #tpu.memory_space<hbm>> -> memref<1x64x512xf32, #tpu.memory_space<hbm>>
      %dma_start3A_305 = tpu.memref_squeeze %dma_start3A_304 : memref<1x64x512xf32, #tpu.memory_space<hbm>> -> memref<64x512xf32, #tpu.memory_space<hbm>>
      tpu.enqueue_dma source(%dma_start3A_305 : memref<64x512xf32, #tpu.memory_space<hbm>>) target(%dma_start3A_302 : memref<64x512xf32, #tpu.memory_space<vmem>>) target_semaphore(%dma_start3A_298 : memref<!tpu.dma_semaphore, #tpu.memory_space<semaphore_mem>>)
      %jit3A_306 = arith.constant 78 : i32
      %div3A_307 = arith.divsi %shift_right_arithmetic3A_240, %jit3A_306 : i32
      %sign3A_308 = arith.constant 0 : i32
      %sign3A_309 = arith.cmpi sgt, %shift_right_arithmetic3A_240, %sign3A_308 : i32
      %sign3A_310 = arith.extui %sign3A_309 : i1 to i32
      %sign3A_311 = arith.constant 0 : i32
      %sign3A_312 = arith.cmpi slt, %shift_right_arithmetic3A_240, %sign3A_311 : i32
      %sign3A_313 = arith.extui %sign3A_312 : i1 to i32
      %sign3A_314 = arith.subi %sign3A_310, %sign3A_313 : i32
      %sign3A_315 = arith.constant 0 : i32
      %sign3A_316 = arith.cmpi sgt, %jit3A_306, %sign3A_315 : i32
      %sign3A_317 = arith.extui %sign3A_316 : i1 to i32
      %sign3A_318 = arith.constant 0 : i32
      %sign3A_319 = arith.cmpi slt, %jit3A_306, %sign3A_318 : i32
      %sign3A_320 = arith.extui %sign3A_319 : i1 to i32
      %sign3A_321 = arith.subi %sign3A_317, %sign3A_320 : i32
      %ne3A_322 = arith.cmpi ne, %sign3A_314, %sign3A_321 : i32
      %rem3A_323 = arith.remsi %shift_right_arithmetic3A_240, %jit3A_306 : i32
      %ne3A_324 = arith.constant 0 : i32
      %ne3A_325 = arith.cmpi ne, %rem3A_323, %ne3A_324 : i32
      %and3A_326 = arith.andi %ne3A_322, %ne3A_325 : i1
      %sub3A_327 = arith.constant 1 : i32
      %sub3A_328 = arith.subi %div3A_307, %sub3A_327 : i32
      %select_n3A_329 = arith.select %and3A_326, %sub3A_328, %div3A_307 : i32
      %mul3A_330 = arith.constant 78 : i32
      %mul3A_331 = arith.muli %select_n3A_329, %mul3A_330 : i32
      %sub3A_332 = arith.subi %shift_right_arithmetic3A_240, %mul3A_331 : i32
      %mul3A_333 = arith.constant 128 : i32
      %mul3A_334 = arith.muli %sub3A_332, %mul3A_333 : i32
      %mul3A_335 = arith.constant 64 : i32
      %mul3A_336 = arith.muli %and3A_242, %mul3A_335 : i32
      %add3A_337 = arith.addi %mul3A_334, %mul3A_336 : i32
      %dma_wait3A_338 = arith.constant 0 : i32
      %dma_wait3A_339 = arith.constant 0 : i32
      %dma_wait3A_340 = tpu.memref_slice %arg8[%and3A_244, %dma_wait3A_338, %dma_wait3A_339] : memref<2x64x512xf32, #tpu.memory_space<vmem>> -> memref<1x64x512xf32, #tpu.memory_space<vmem>>
      %dma_wait3A_341 = tpu.memref_squeeze %dma_wait3A_340 : memref<1x64x512xf32, #tpu.memory_space<vmem>> -> memref<64x512xf32, #tpu.memory_space<vmem>>
      %dma_wait3A_342 = arith.constant 0 : i32
      %dma_wait3A_343 = tpu.memref_slice %arg4[%select_n3A_329, %add3A_337, %dma_wait3A_342] : memref<3x10000x512xf32, #tpu.memory_space<hbm>> -> memref<1x64x512xf32, #tpu.memory_space<hbm>>
      %dma_wait3A_344 = tpu.memref_squeeze %dma_wait3A_343 : memref<1x64x512xf32, #tpu.memory_space<hbm>> -> memref<64x512xf32, #tpu.memory_space<hbm>>
      %dma_wait3A_345 = tpu.memref_slice %arg11[%and3A_244] : memref<2x!tpu.dma_semaphore, #tpu.memory_space<semaphore_mem>> -> memref<1x!tpu.dma_semaphore, #tpu.memory_space<semaphore_mem>>
      %dma_wait3A_346 = tpu.memref_squeeze %dma_wait3A_345 : memref<1x!tpu.dma_semaphore, #tpu.memory_space<semaphore_mem>> -> memref<!tpu.dma_semaphore, #tpu.memory_space<semaphore_mem>>
      %dma_wait3A_347 = arith.constant 0 : i32
      %dma_wait3A_348 = arith.constant 0 : i32
      %dma_wait3A_349 = tpu.memref_slice %arg8[%and3A_244, %dma_wait3A_347, %dma_wait3A_348] : memref<2x64x512xf32, #tpu.memory_space<vmem>> -> memref<1x64x512xf32, #tpu.memory_space<vmem>>
      %dma_wait3A_350 = tpu.memref_squeeze %dma_wait3A_349 : memref<1x64x512xf32, #tpu.memory_space<vmem>> -> memref<64x512xf32, #tpu.memory_space<vmem>>
      %dma_wait3A_351 = arith.constant 0 : i32
      %dma_wait3A_352 = tpu.memref_slice %arg4[%select_n3A_329, %add3A_337, %dma_wait3A_351] : memref<3x10000x512xf32, #tpu.memory_space<hbm>> -> memref<1x64x512xf32, #tpu.memory_space<hbm>>
      %dma_wait3A_353 = tpu.memref_squeeze %dma_wait3A_352 : memref<1x64x512xf32, #tpu.memory_space<hbm>> -> memref<64x512xf32, #tpu.memory_space<hbm>>
      tpu.wait_dma2 semaphore(%dma_wait3A_346 : memref<!tpu.dma_semaphore, #tpu.memory_space<semaphore_mem>>) src(%dma_wait3A_353 : memref<64x512xf32, #tpu.memory_space<hbm>>) dst(%dma_wait3A_350 : memref<64x512xf32, #tpu.memory_space<vmem>>)
      %eq3A = arith.constant 0 : i32
      %eq3A_354 = arith.cmpi eq, %and3A_242, %eq3A : i32
      %add3A_355 = arith.constant 2 : i32
      %add3A_356 = arith.addi %add3A_16, %add3A_355 : i32
      %ge3A = arith.cmpi sge, %shift_right_arithmetic3A_240, %add3A_356 : i32
      %and3A_357 = arith.andi %eq3A_354, %ge3A : i1
      %convert_element_type3A_358 = arith.extui %and3A_357 : i1 to i32
      %cond3A_359 = arith.constant 0 : i32
      %cond3A_360 = arith.cmpi ne, %convert_element_type3A_358, %cond3A_359 : i32
      scf.if %cond3A_360 {
        %sub3A_368 = arith.constant 2 : i32
        %sub3A_369 = arith.subi %shift_right_arithmetic3A_240, %sub3A_368 : i32
        %jit3A_370 = arith.constant 78 : i32
        %div3A_371 = arith.divsi %sub3A_369, %jit3A_370 : i32
        %sign3A_372 = arith.constant 0 : i32
        %sign3A_373 = arith.cmpi sgt, %sub3A_369, %sign3A_372 : i32
        %sign3A_374 = arith.extui %sign3A_373 : i1 to i32
        %sign3A_375 = arith.constant 0 : i32
        %sign3A_376 = arith.cmpi slt, %sub3A_369, %sign3A_375 : i32
        %sign3A_377 = arith.extui %sign3A_376 : i1 to i32
        %sign3A_378 = arith.subi %sign3A_374, %sign3A_377 : i32
        %sign3A_379 = arith.constant 0 : i32
        %sign3A_380 = arith.cmpi sgt, %jit3A_370, %sign3A_379 : i32
        %sign3A_381 = arith.extui %sign3A_380 : i1 to i32
        %sign3A_382 = arith.constant 0 : i32
        %sign3A_383 = arith.cmpi slt, %jit3A_370, %sign3A_382 : i32
        %sign3A_384 = arith.extui %sign3A_383 : i1 to i32
        %sign3A_385 = arith.subi %sign3A_381, %sign3A_384 : i32
        %ne3A_386 = arith.cmpi ne, %sign3A_378, %sign3A_385 : i32
        %rem3A_387 = arith.remsi %sub3A_369, %jit3A_370 : i32
        %ne3A_388 = arith.constant 0 : i32
        %ne3A_389 = arith.cmpi ne, %rem3A_387, %ne3A_388 : i32
        %and3A_390 = arith.andi %ne3A_386, %ne3A_389 : i1
        %sub3A_391 = arith.constant 1 : i32
        %sub3A_392 = arith.subi %div3A_371, %sub3A_391 : i32
        %select_n3A_393 = arith.select %and3A_390, %sub3A_392, %div3A_371 : i32
        %mul3A_394 = arith.constant 78 : i32
        %mul3A_395 = arith.muli %select_n3A_393, %mul3A_394 : i32
        %sub3A_396 = arith.subi %sub3A_369, %mul3A_395 : i32
        %mul3A_397 = arith.constant 128 : i32
        %mul3A_398 = arith.muli %sub3A_396, %mul3A_397 : i32
        %dma_wait3A_399 = arith.constant 0 : i32
        %dma_wait3A_400 = arith.constant 0 : i32
        %dma_wait3A_401 = tpu.memref_slice %arg9[%and3A_246, %dma_wait3A_399, %dma_wait3A_400] : memref<2x64x128xf32, #tpu.memory_space<vmem>> -> memref<1x64x128xf32, #tpu.memory_space<vmem>>
        %dma_wait3A_402 = tpu.memref_squeeze %dma_wait3A_401 : memref<1x64x128xf32, #tpu.memory_space<vmem>> -> memref<64x128xf32, #tpu.memory_space<vmem>>
        %dma_wait3A_403 = arith.constant 0 : i32
        %dma_wait3A_404 = tpu.memref_slice %arg5[%select_n3A_393, %dma_wait3A_403, %mul3A_398] : memref<3x64x10000xf32, #tpu.memory_space<hbm>> -> memref<1x64x128xf32, #tpu.memory_space<hbm>>
        %dma_wait3A_405 = tpu.memref_squeeze %dma_wait3A_404 : memref<1x64x128xf32, #tpu.memory_space<hbm>> -> memref<64x128xf32, #tpu.memory_space<hbm>>
        %dma_wait3A_406 = tpu.memref_slice %arg12[%and3A_246] : memref<2x!tpu.dma_semaphore, #tpu.memory_space<semaphore_mem>> -> memref<1x!tpu.dma_semaphore, #tpu.memory_space<semaphore_mem>>
        %dma_wait3A_407 = tpu.memref_squeeze %dma_wait3A_406 : memref<1x!tpu.dma_semaphore, #tpu.memory_space<semaphore_mem>> -> memref<!tpu.dma_semaphore, #tpu.memory_space<semaphore_mem>>
        %dma_wait3A_408 = arith.constant 0 : i32
        %dma_wait3A_409 = tpu.memref_slice %arg5[%select_n3A_393, %dma_wait3A_408, %mul3A_398] : memref<3x64x10000xf32, #tpu.memory_space<hbm>> -> memref<1x64x128xf32, #tpu.memory_space<hbm>>
        %dma_wait3A_410 = tpu.memref_squeeze %dma_wait3A_409 : memref<1x64x128xf32, #tpu.memory_space<hbm>> -> memref<64x128xf32, #tpu.memory_space<hbm>>
        %dma_wait3A_411 = arith.constant 0 : i32
        %dma_wait3A_412 = arith.constant 0 : i32
        %dma_wait3A_413 = tpu.memref_slice %arg9[%and3A_246, %dma_wait3A_411, %dma_wait3A_412] : memref<2x64x128xf32, #tpu.memory_space<vmem>> -> memref<1x64x128xf32, #tpu.memory_space<vmem>>
        %dma_wait3A_414 = tpu.memref_squeeze %dma_wait3A_413 : memref<1x64x128xf32, #tpu.memory_space<vmem>> -> memref<64x128xf32, #tpu.memory_space<vmem>>
        tpu.wait_dma2 semaphore(%dma_wait3A_407 : memref<!tpu.dma_semaphore, #tpu.memory_space<semaphore_mem>>) src(%dma_wait3A_414 : memref<64x128xf32, #tpu.memory_space<vmem>>) dst(%dma_wait3A_410 : memref<64x128xf32, #tpu.memory_space<hbm>>)
      } else {
      }
      %parallel_loop3A = arith.constant 0 : i32
      %parallel_loop3A_361 = arith.constant 64 : i32
      %parallel_loop3A_362 = arith.constant 1 : i32
      scf.for %parallel_loop3A_368 = %parallel_loop3A to %parallel_loop3A_361 step %parallel_loop3A_362  : i32 {
        %parallel_loop3A_369 = arith.constant 3 : i32
        %parallel_loop3A_370 = arith.shrsi %parallel_loop3A_368, %parallel_loop3A_369 : i32
        %parallel_loop3A_371 = arith.constant 7 : i32
        %parallel_loop3A_372 = arith.andi %parallel_loop3A_368, %parallel_loop3A_371 : i32
        %parallel_loop3A_373 = arith.constant 16 : i32
        %parallel_loop3A_374 = arith.muli %parallel_loop3A_372, %parallel_loop3A_373 : i32
        %parallel_loop3A_375 = arith.index_cast %parallel_loop3A_370 : i32 to index
        %parallel_loop3A_376 = arith.index_cast %parallel_loop3A_374 : i32 to index
        %parallel_loop3A_377 = tpu.vector_load %arg6[%parallel_loop3A_375, %parallel_loop3A_376] {strides = array<i32>} : memref<8x128xi32, #tpu.memory_space<vmem>>, vector<16xi32>,
        %parallel_loop3A_378 = arith.constant 3 : i32
        %parallel_loop3A_379 = arith.shrsi %parallel_loop3A_368, %parallel_loop3A_378 : i32
        %parallel_loop3A_380 = arith.constant 7 : i32
        %parallel_loop3A_381 = arith.andi %parallel_loop3A_368, %parallel_loop3A_380 : i32
        %parallel_loop3A_382 = arith.constant 16 : i32
        %parallel_loop3A_383 = arith.muli %parallel_loop3A_381, %parallel_loop3A_382 : i32
        %parallel_loop3A_384 = arith.index_cast %parallel_loop3A_379 : i32 to index
        %parallel_loop3A_385 = arith.index_cast %parallel_loop3A_383 : i32 to index
        %parallel_loop3A_386 = tpu.vector_load %arg7[%parallel_loop3A_384, %parallel_loop3A_385] {strides = array<i32>} : memref<8x128xf32, #tpu.memory_space<vmem>>, vector<16xf32>,
        %parallel_loop3A_387 = arith.constant 1.000000e+00 : f32
        %parallel_loop3A_388 = vector.broadcast %parallel_loop3A_387 : f32 to vector<16xf32>
        %parallel_loop3A_389 = arith.subf %parallel_loop3A_388, %parallel_loop3A_386 : vector<16xf32>
        %parallel_loop3A_390 = arith.constant 1 : i32
        %parallel_loop3A_391 = vector.broadcast %parallel_loop3A_390 : i32 to vector<16xi32>
        %parallel_loop3A_392 = arith.addi %parallel_loop3A_377, %parallel_loop3A_391 : vector<16xi32>
        %parallel_loop3A_393 = arith.constant 0 : i32
        %parallel_loop3A_394 = arith.constant 0 : i32
        %parallel_loop3A_395 = tpu.memref_slice %arg8[%and3A_244, %parallel_loop3A_393, %parallel_loop3A_394] : memref<2x64x512xf32, #tpu.memory_space<vmem>> -> memref<1x64x512xf32, #tpu.memory_space<vmem>>
        %parallel_loop3A_396 = tpu.memref_squeeze %parallel_loop3A_395 : memref<1x64x512xf32, #tpu.memory_space<vmem>> -> memref<64x512xf32, #tpu.memory_space<vmem>>
        %parallel_loop3A_397 = tpu.vector_load_idx %parallel_loop3A_396[%add3A_3, %parallel_loop3A_377] : memref<64x512xf32, #tpu.memory_space<vmem>>[vector<16xi32>, vector<16xi32>], vector<16xf32>,
        %parallel_loop3A_398 = arith.constant 0 : i32
        %parallel_loop3A_399 = arith.constant 0 : i32
        %parallel_loop3A_400 = tpu.memref_slice %arg8[%and3A_244, %parallel_loop3A_398, %parallel_loop3A_399] : memref<2x64x512xf32, #tpu.memory_space<vmem>> -> memref<1x64x512xf32, #tpu.memory_space<vmem>>
        %parallel_loop3A_401 = tpu.memref_squeeze %parallel_loop3A_400 : memref<1x64x512xf32, #tpu.memory_space<vmem>> -> memref<64x512xf32, #tpu.memory_space<vmem>>
        %parallel_loop3A_402 = tpu.vector_load_idx %parallel_loop3A_401[%add3A_3, %parallel_loop3A_392] : memref<64x512xf32, #tpu.memory_space<vmem>>[vector<16xi32>, vector<16xi32>], vector<16xf32>,
        %parallel_loop3A_403 = arith.mulf %parallel_loop3A_397, %parallel_loop3A_389 : vector<16xf32>
        %parallel_loop3A_404 = arith.mulf %parallel_loop3A_402, %parallel_loop3A_386 : vector<16xf32>
        %parallel_loop3A_405 = arith.addf %parallel_loop3A_403, %parallel_loop3A_404 : vector<16xf32>
        %parallel_loop3A_406 = arith.constant 64 : i32
        %parallel_loop3A_407 = arith.muli %and3A_242, %parallel_loop3A_406 : i32
        %parallel_loop3A_408 = arith.constant 0 : i32
        %parallel_loop3A_409 = arith.addi %parallel_loop3A_407, %parallel_loop3A_408 : i32
        %parallel_loop3A_410 = arith.index_cast %and3A_246 : i32 to index
        %parallel_loop3A_411 = arith.index_cast %parallel_loop3A_368 : i32 to index
        %parallel_loop3A_412 = arith.index_cast %parallel_loop3A_409 : i32 to index
        %parallel_loop3A_413 = tpu.vector_load %arg9[%parallel_loop3A_410, %parallel_loop3A_411, %parallel_loop3A_412] {strides = array<i32>} : memref<2x64x128xf32, #tpu.memory_space<vmem>>, vector<16xf32>,
        tpu.vector_store %arg9[%parallel_loop3A_410, %parallel_loop3A_411, %parallel_loop3A_412], %parallel_loop3A_405 {strides = array<i32>} : memref<2x64x128xf32, #tpu.memory_space<vmem>>, vector<16xf32>,
        %parallel_loop3A_414 = arith.constant 0 : i32
        %parallel_loop3A_415 = arith.constant 0 : i32
        %parallel_loop3A_416 = tpu.memref_slice %arg8[%and3A_244, %parallel_loop3A_414, %parallel_loop3A_415] : memref<2x64x512xf32, #tpu.memory_space<vmem>> -> memref<1x64x512xf32, #tpu.memory_space<vmem>>
        %parallel_loop3A_417 = tpu.memref_squeeze %parallel_loop3A_416 : memref<1x64x512xf32, #tpu.memory_space<vmem>> -> memref<64x512xf32, #tpu.memory_space<vmem>>
        %parallel_loop3A_418 = tpu.vector_load_idx %parallel_loop3A_417[%add3A_6, %parallel_loop3A_377] : memref<64x512xf32, #tpu.memory_space<vmem>>[vector<16xi32>, vector<16xi32>], vector<16xf32>,
        %parallel_loop3A_419 = arith.constant 0 : i32
        %parallel_loop3A_420 = arith.constant 0 : i32
        %parallel_loop3A_421 = tpu.memref_slice %arg8[%and3A_244, %parallel_loop3A_419, %parallel_loop3A_420] : memref<2x64x512xf32, #tpu.memory_space<vmem>> -> memref<1x64x512xf32, #tpu.memory_space<vmem>>
        %parallel_loop3A_422 = tpu.memref_squeeze %parallel_loop3A_421 : memref<1x64x512xf32, #tpu.memory_space<vmem>> -> memref<64x512xf32, #tpu.memory_space<vmem>>
        %parallel_loop3A_423 = tpu.vector_load_idx %parallel_loop3A_422[%add3A_6, %parallel_loop3A_392] : memref<64x512xf32, #tpu.memory_space<vmem>>[vector<16xi32>, vector<16xi32>], vector<16xf32>,
        %parallel_loop3A_424 = arith.mulf %parallel_loop3A_418, %parallel_loop3A_389 : vector<16xf32>
        %parallel_loop3A_425 = arith.mulf %parallel_loop3A_423, %parallel_loop3A_386 : vector<16xf32>
        %parallel_loop3A_426 = arith.addf %parallel_loop3A_424, %parallel_loop3A_425 : vector<16xf32>
        %parallel_loop3A_427 = arith.constant 64 : i32
        %parallel_loop3A_428 = arith.muli %and3A_242, %parallel_loop3A_427 : i32
        %parallel_loop3A_429 = arith.constant 16 : i32
        %parallel_loop3A_430 = arith.addi %parallel_loop3A_428, %parallel_loop3A_429 : i32
        %parallel_loop3A_431 = arith.index_cast %and3A_246 : i32 to index
        %parallel_loop3A_432 = arith.index_cast %parallel_loop3A_368 : i32 to index
        %parallel_loop3A_433 = arith.index_cast %parallel_loop3A_430 : i32 to index
        %parallel_loop3A_434 = tpu.vector_load %arg9[%parallel_loop3A_431, %parallel_loop3A_432, %parallel_loop3A_433] {strides = array<i32>} : memref<2x64x128xf32, #tpu.memory_space<vmem>>, vector<16xf32>,
        tpu.vector_store %arg9[%parallel_loop3A_431, %parallel_loop3A_432, %parallel_loop3A_433], %parallel_loop3A_426 {strides = array<i32>} : memref<2x64x128xf32, #tpu.memory_space<vmem>>, vector<16xf32>,
        %parallel_loop3A_435 = arith.constant 0 : i32
        %parallel_loop3A_436 = arith.constant 0 : i32
        %parallel_loop3A_437 = tpu.memref_slice %arg8[%and3A_244, %parallel_loop3A_435, %parallel_loop3A_436] : memref<2x64x512xf32, #tpu.memory_space<vmem>> -> memref<1x64x512xf32, #tpu.memory_space<vmem>>
        %parallel_loop3A_438 = tpu.memref_squeeze %parallel_loop3A_437 : memref<1x64x512xf32, #tpu.memory_space<vmem>> -> memref<64x512xf32, #tpu.memory_space<vmem>>
        %parallel_loop3A_439 = tpu.vector_load_idx %parallel_loop3A_438[%add3A_9, %parallel_loop3A_377] : memref<64x512xf32, #tpu.memory_space<vmem>>[vector<16xi32>, vector<16xi32>], vector<16xf32>,
        %parallel_loop3A_440 = arith.constant 0 : i32
        %parallel_loop3A_441 = arith.constant 0 : i32
        %parallel_loop3A_442 = tpu.memref_slice %arg8[%and3A_244, %parallel_loop3A_440, %parallel_loop3A_441] : memref<2x64x512xf32, #tpu.memory_space<vmem>> -> memref<1x64x512xf32, #tpu.memory_space<vmem>>
        %parallel_loop3A_443 = tpu.memref_squeeze %parallel_loop3A_442 : memref<1x64x512xf32, #tpu.memory_space<vmem>> -> memref<64x512xf32, #tpu.memory_space<vmem>>
        %parallel_loop3A_444 = tpu.vector_load_idx %parallel_loop3A_443[%add3A_9, %parallel_loop3A_392] : memref<64x512xf32, #tpu.memory_space<vmem>>[vector<16xi32>, vector<16xi32>], vector<16xf32>,
        %parallel_loop3A_445 = arith.mulf %parallel_loop3A_439, %parallel_loop3A_389 : vector<16xf32>
        %parallel_loop3A_446 = arith.mulf %parallel_loop3A_444, %parallel_loop3A_386 : vector<16xf32>
        %parallel_loop3A_447 = arith.addf %parallel_loop3A_445, %parallel_loop3A_446 : vector<16xf32>
        %parallel_loop3A_448 = arith.constant 64 : i32
        %parallel_loop3A_449 = arith.muli %and3A_242, %parallel_loop3A_448 : i32
        %parallel_loop3A_450 = arith.constant 32 : i32
        %parallel_loop3A_451 = arith.addi %parallel_loop3A_449, %parallel_loop3A_450 : i32
        %parallel_loop3A_452 = arith.index_cast %and3A_246 : i32 to index
        %parallel_loop3A_453 = arith.index_cast %parallel_loop3A_368 : i32 to index
        %parallel_loop3A_454 = arith.index_cast %parallel_loop3A_451 : i32 to index
        %parallel_loop3A_455 = tpu.vector_load %arg9[%parallel_loop3A_452, %parallel_loop3A_453, %parallel_loop3A_454] {strides = array<i32>} : memref<2x64x128xf32, #tpu.memory_space<vmem>>, vector<16xf32>,
        tpu.vector_store %arg9[%parallel_loop3A_452, %parallel_loop3A_453, %parallel_loop3A_454], %parallel_loop3A_447 {strides = array<i32>} : memref<2x64x128xf32, #tpu.memory_space<vmem>>, vector<16xf32>,
        %parallel_loop3A_456 = arith.constant 0 : i32
        %parallel_loop3A_457 = arith.constant 0 : i32
        %parallel_loop3A_458 = tpu.memref_slice %arg8[%and3A_244, %parallel_loop3A_456, %parallel_loop3A_457] : memref<2x64x512xf32, #tpu.memory_space<vmem>> -> memref<1x64x512xf32, #tpu.memory_space<vmem>>
        %parallel_loop3A_459 = tpu.memref_squeeze %parallel_loop3A_458 : memref<1x64x512xf32, #tpu.memory_space<vmem>> -> memref<64x512xf32, #tpu.memory_space<vmem>>
        %parallel_loop3A_460 = tpu.vector_load_idx %parallel_loop3A_459[%add3A_12, %parallel_loop3A_377] : memref<64x512xf32, #tpu.memory_space<vmem>>[vector<16xi32>, vector<16xi32>], vector<16xf32>,
        %parallel_loop3A_461 = arith.constant 0 : i32
        %parallel_loop3A_462 = arith.constant 0 : i32
        %parallel_loop3A_463 = tpu.memref_slice %arg8[%and3A_244, %parallel_loop3A_461, %parallel_loop3A_462] : memref<2x64x512xf32, #tpu.memory_space<vmem>> -> memref<1x64x512xf32, #tpu.memory_space<vmem>>
        %parallel_loop3A_464 = tpu.memref_squeeze %parallel_loop3A_463 : memref<1x64x512xf32, #tpu.memory_space<vmem>> -> memref<64x512xf32, #tpu.memory_space<vmem>>
        %parallel_loop3A_465 = tpu.vector_load_idx %parallel_loop3A_464[%add3A_12, %parallel_loop3A_392] : memref<64x512xf32, #tpu.memory_space<vmem>>[vector<16xi32>, vector<16xi32>], vector<16xf32>,
        %parallel_loop3A_466 = arith.mulf %parallel_loop3A_460, %parallel_loop3A_389 : vector<16xf32>
        %parallel_loop3A_467 = arith.mulf %parallel_loop3A_465, %parallel_loop3A_386 : vector<16xf32>
        %parallel_loop3A_468 = arith.addf %parallel_loop3A_466, %parallel_loop3A_467 : vector<16xf32>
        %parallel_loop3A_469 = arith.constant 64 : i32
        %parallel_loop3A_470 = arith.muli %and3A_242, %parallel_loop3A_469 : i32
        %parallel_loop3A_471 = arith.constant 48 : i32
        %parallel_loop3A_472 = arith.addi %parallel_loop3A_470, %parallel_loop3A_471 : i32
        %parallel_loop3A_473 = arith.index_cast %and3A_246 : i32 to index
        %parallel_loop3A_474 = arith.index_cast %parallel_loop3A_368 : i32 to index
        %parallel_loop3A_475 = arith.index_cast %parallel_loop3A_472 : i32 to index
        %parallel_loop3A_476 = tpu.vector_load %arg9[%parallel_loop3A_473, %parallel_loop3A_474, %parallel_loop3A_475] {strides = array<i32>} : memref<2x64x128xf32, #tpu.memory_space<vmem>>, vector<16xf32>,
        tpu.vector_store %arg9[%parallel_loop3A_473, %parallel_loop3A_474, %parallel_loop3A_475], %parallel_loop3A_468 {strides = array<i32>} : memref<2x64x128xf32, #tpu.memory_space<vmem>>, vector<16xf32>,
      } {sc.loop_unroll_factor = 8 : i64, sc.parallel_access}
      %eq3A_363 = arith.constant 1 : i32
      %eq3A_364 = arith.cmpi eq, %and3A_242, %eq3A_363 : i32
      %convert_element_type3A_365 = arith.extui %eq3A_364 : i1 to i32
      %cond3A_366 = arith.constant 0 : i32
      %cond3A_367 = arith.cmpi ne, %convert_element_type3A_365, %cond3A_366 : i32
      scf.if %cond3A_367 {
        %jit3A_368 = arith.constant 78 : i32
        %div3A_369 = arith.divsi %shift_right_arithmetic3A_240, %jit3A_368 : i32
        %sign3A_370 = arith.constant 0 : i32
        %sign3A_371 = arith.cmpi sgt, %shift_right_arithmetic3A_240, %sign3A_370 : i32
        %sign3A_372 = arith.extui %sign3A_371 : i1 to i32
        %sign3A_373 = arith.constant 0 : i32
        %sign3A_374 = arith.cmpi slt, %shift_right_arithmetic3A_240, %sign3A_373 : i32
        %sign3A_375 = arith.extui %sign3A_374 : i1 to i32
        %sign3A_376 = arith.subi %sign3A_372, %sign3A_375 : i32
        %sign3A_377 = arith.constant 0 : i32
        %sign3A_378 = arith.cmpi sgt, %jit3A_368, %sign3A_377 : i32
        %sign3A_379 = arith.extui %sign3A_378 : i1 to i32
        %sign3A_380 = arith.constant 0 : i32
        %sign3A_381 = arith.cmpi slt, %jit3A_368, %sign3A_380 : i32
        %sign3A_382 = arith.extui %sign3A_381 : i1 to i32
        %sign3A_383 = arith.subi %sign3A_379, %sign3A_382 : i32
        %ne3A_384 = arith.cmpi ne, %sign3A_376, %sign3A_383 : i32
        %rem3A_385 = arith.remsi %shift_right_arithmetic3A_240, %jit3A_368 : i32
        %ne3A_386 = arith.constant 0 : i32
        %ne3A_387 = arith.cmpi ne, %rem3A_385, %ne3A_386 : i32
        %and3A_388 = arith.andi %ne3A_384, %ne3A_387 : i1
        %sub3A_389 = arith.constant 1 : i32
        %sub3A_390 = arith.subi %div3A_369, %sub3A_389 : i32
        %select_n3A_391 = arith.select %and3A_388, %sub3A_390, %div3A_369 : i32
        %mul3A_392 = arith.constant 78 : i32
        %mul3A_393 = arith.muli %select_n3A_391, %mul3A_392 : i32
        %sub3A_394 = arith.subi %shift_right_arithmetic3A_240, %mul3A_393 : i32
        %mul3A_395 = arith.constant 128 : i32
        %mul3A_396 = arith.muli %sub3A_394, %mul3A_395 : i32
        %dma_start3A_397 = arith.constant 0 : i32
        %dma_start3A_398 = arith.constant 0 : i32
        %dma_start3A_399 = tpu.memref_slice %arg9[%and3A_246, %dma_start3A_397, %dma_start3A_398] : memref<2x64x128xf32, #tpu.memory_space<vmem>> -> memref<1x64x128xf32, #tpu.memory_space<vmem>>
        %dma_start3A_400 = tpu.memref_squeeze %dma_start3A_399 : memref<1x64x128xf32, #tpu.memory_space<vmem>> -> memref<64x128xf32, #tpu.memory_space<vmem>>
        %dma_start3A_401 = arith.constant 0 : i32
        %dma_start3A_402 = tpu.memref_slice %arg5[%select_n3A_391, %dma_start3A_401, %mul3A_396] : memref<3x64x10000xf32, #tpu.memory_space<hbm>> -> memref<1x64x128xf32, #tpu.memory_space<hbm>>
        %dma_start3A_403 = tpu.memref_squeeze %dma_start3A_402 : memref<1x64x128xf32, #tpu.memory_space<hbm>> -> memref<64x128xf32, #tpu.memory_space<hbm>>
        %dma_start3A_404 = tpu.memref_slice %arg12[%and3A_246] : memref<2x!tpu.dma_semaphore, #tpu.memory_space<semaphore_mem>> -> memref<1x!tpu.dma_semaphore, #tpu.memory_space<semaphore_mem>>
        %dma_start3A_405 = tpu.memref_squeeze %dma_start3A_404 : memref<1x!tpu.dma_semaphore, #tpu.memory_space<semaphore_mem>> -> memref<!tpu.dma_semaphore, #tpu.memory_space<semaphore_mem>>
        %dma_start3A_406 = arith.constant 0 : i32
        %dma_start3A_407 = tpu.memref_slice %arg5[%select_n3A_391, %dma_start3A_406, %mul3A_396] : memref<3x64x10000xf32, #tpu.memory_space<hbm>> -> memref<1x64x128xf32, #tpu.memory_space<hbm>>
        %dma_start3A_408 = tpu.memref_squeeze %dma_start3A_407 : memref<1x64x128xf32, #tpu.memory_space<hbm>> -> memref<64x128xf32, #tpu.memory_space<hbm>>
        %dma_start3A_409 = arith.constant 0 : i32
        %dma_start3A_410 = arith.constant 0 : i32
        %dma_start3A_411 = tpu.memref_slice %arg9[%and3A_246, %dma_start3A_409, %dma_start3A_410] : memref<2x64x128xf32, #tpu.memory_space<vmem>> -> memref<1x64x128xf32, #tpu.memory_space<vmem>>
        %dma_start3A_412 = tpu.memref_squeeze %dma_start3A_411 : memref<1x64x128xf32, #tpu.memory_space<vmem>> -> memref<64x128xf32, #tpu.memory_space<vmem>>
        tpu.enqueue_dma source(%dma_start3A_412 : memref<64x128xf32, #tpu.memory_space<vmem>>) target(%dma_start3A_408 : memref<64x128xf32, #tpu.memory_space<hbm>>) target_semaphore(%dma_start3A_405 : memref<!tpu.dma_semaphore, #tpu.memory_space<semaphore_mem>>)
      } else {
      }
    }
    %while3A_75 = arith.constant 1 : i32
    scf.for %while3A_239 = %while3A_73 to %while3A_69 step %while3A_75  : i32 {
      %shift_right_arithmetic3A = arith.constant 1 : i32
      %shift_right_arithmetic3A_240 = arith.shrsi %while3A_239, %shift_right_arithmetic3A : i32
      %and3A_241 = arith.constant 1 : i32
      %and3A_242 = arith.andi %while3A_239, %and3A_241 : i32
      %and3A_243 = arith.constant 1 : i32
      %and3A_244 = arith.andi %while3A_239, %and3A_243 : i32
      %and3A_245 = arith.constant 1 : i32
      %and3A_246 = arith.andi %shift_right_arithmetic3A_240, %and3A_245 : i32
      %add3A_247 = arith.constant 1 : i32
      %add3A_248 = arith.addi %while3A_239, %add3A_247 : i32
      %sub3A_249 = arith.constant 1 : i32
      %sub3A_250 = arith.subi %mul3A_23, %sub3A_249 : i32
      %min3A_251 = arith.minsi %add3A_248, %sub3A_250 : i32
      %shift_right_arithmetic3A_252 = arith.constant 1 : i32
      %shift_right_arithmetic3A_253 = arith.shrsi %min3A_251, %shift_right_arithmetic3A_252 : i32
      %and3A_254 = arith.constant 1 : i32
      %and3A_255 = arith.andi %min3A_251, %and3A_254 : i32
      %sub3A_256 = arith.constant 1 : i32
      %sub3A_257 = arith.subi %sub3A_256, %and3A_244 : i32
      %jit3A_258 = arith.constant 78 : i32
      %div3A_259 = arith.divsi %shift_right_arithmetic3A_253, %jit3A_258 : i32
      %sign3A_260 = arith.constant 0 : i32
      %sign3A_261 = arith.cmpi sgt, %shift_right_arithmetic3A_253, %sign3A_260 : i32
      %sign3A_262 = arith.extui %sign3A_261 : i1 to i32
      %sign3A_263 = arith.constant 0 : i32
      %sign3A_264 = arith.cmpi slt, %shift_right_arithmetic3A_253, %sign3A_263 : i32
      %sign3A_265 = arith.extui %sign3A_264 : i1 to i32
      %sign3A_266 = arith.subi %sign3A_262, %sign3A_265 : i32
      %sign3A_267 = arith.constant 0 : i32
      %sign3A_268 = arith.cmpi sgt, %jit3A_258, %sign3A_267 : i32
      %sign3A_269 = arith.extui %sign3A_268 : i1 to i32
      %sign3A_270 = arith.constant 0 : i32
      %sign3A_271 = arith.cmpi slt, %jit3A_258, %sign3A_270 : i32
      %sign3A_272 = arith.extui %sign3A_271 : i1 to i32
      %sign3A_273 = arith.subi %sign3A_269, %sign3A_272 : i32
      %ne3A_274 = arith.cmpi ne, %sign3A_266, %sign3A_273 : i32
      %rem3A_275 = arith.remsi %shift_right_arithmetic3A_253, %jit3A_258 : i32
      %ne3A_276 = arith.constant 0 : i32
      %ne3A_277 = arith.cmpi ne, %rem3A_275, %ne3A_276 : i32
      %and3A_278 = arith.andi %ne3A_274, %ne3A_277 : i1
      %sub3A_279 = arith.constant 1 : i32
      %sub3A_280 = arith.subi %div3A_259, %sub3A_279 : i32
      %select_n3A_281 = arith.select %and3A_278, %sub3A_280, %div3A_259 : i32
      %mul3A_282 = arith.constant 78 : i32
      %mul3A_283 = arith.muli %select_n3A_281, %mul3A_282 : i32
      %sub3A_284 = arith.subi %shift_right_arithmetic3A_253, %mul3A_283 : i32
      %mul3A_285 = arith.constant 128 : i32
      %mul3A_286 = arith.muli %sub3A_284, %mul3A_285 : i32
      %mul3A_287 = arith.constant 64 : i32
      %mul3A_288 = arith.muli %and3A_255, %mul3A_287 : i32
      %add3A_289 = arith.addi %mul3A_286, %mul3A_288 : i32
      %dma_start3A_290 = arith.constant 0 : i32
      %dma_start3A_291 = arith.constant 0 : i32
      %dma_start3A_292 = tpu.memref_slice %arg8[%sub3A_257, %dma_start3A_290, %dma_start3A_291] : memref<2x64x512xf32, #tpu.memory_space<vmem>> -> memref<1x64x512xf32, #tpu.memory_space<vmem>>
      %dma_start3A_293 = tpu.memref_squeeze %dma_start3A_292 : memref<1x64x512xf32, #tpu.memory_space<vmem>> -> memref<64x512xf32, #tpu.memory_space<vmem>>
      %dma_start3A_294 = arith.constant 0 : i32
      %dma_start3A_295 = tpu.memref_slice %arg4[%select_n3A_281, %add3A_289, %dma_start3A_294] : memref<3x10000x512xf32, #tpu.memory_space<hbm>> -> memref<1x64x512xf32, #tpu.memory_space<hbm>>
      %dma_start3A_296 = tpu.memref_squeeze %dma_start3A_295 : memref<1x64x512xf32, #tpu.memory_space<hbm>> -> memref<64x512xf32, #tpu.memory_space<hbm>>
      %dma_start3A_297 = tpu.memref_slice %arg11[%sub3A_257] : memref<2x!tpu.dma_semaphore, #tpu.memory_space<semaphore_mem>> -> memref<1x!tpu.dma_semaphore, #tpu.memory_space<semaphore_mem>>
      %dma_start3A_298 = tpu.memref_squeeze %dma_start3A_297 : memref<1x!tpu.dma_semaphore, #tpu.memory_space<semaphore_mem>> -> memref<!tpu.dma_semaphore, #tpu.memory_space<semaphore_mem>>
      %dma_start3A_299 = arith.constant 0 : i32
      %dma_start3A_300 = arith.constant 0 : i32
      %dma_start3A_301 = tpu.memref_slice %arg8[%sub3A_257, %dma_start3A_299, %dma_start3A_300] : memref<2x64x512xf32, #tpu.memory_space<vmem>> -> memref<1x64x512xf32, #tpu.memory_space<vmem>>
      %dma_start3A_302 = tpu.memref_squeeze %dma_start3A_301 : memref<1x64x512xf32, #tpu.memory_space<vmem>> -> memref<64x512xf32, #tpu.memory_space<vmem>>
      %dma_start3A_303 = arith.constant 0 : i32
      %dma_start3A_304 = tpu.memref_slice %arg4[%select_n3A_281, %add3A_289, %dma_start3A_303] : memref<3x10000x512xf32, #tpu.memory_space<hbm>> -> memref<1x64x512xf32, #tpu.memory_space<hbm>>
      %dma_start3A_305 = tpu.memref_squeeze %dma_start3A_304 : memref<1x64x512xf32, #tpu.memory_space<hbm>> -> memref<64x512xf32, #tpu.memory_space<hbm>>
      tpu.enqueue_dma source(%dma_start3A_305 : memref<64x512xf32, #tpu.memory_space<hbm>>) target(%dma_start3A_302 : memref<64x512xf32, #tpu.memory_space<vmem>>) target_semaphore(%dma_start3A_298 : memref<!tpu.dma_semaphore, #tpu.memory_space<semaphore_mem>>)
      %jit3A_306 = arith.constant 78 : i32
      %div3A_307 = arith.divsi %shift_right_arithmetic3A_240, %jit3A_306 : i32
      %sign3A_308 = arith.constant 0 : i32
      %sign3A_309 = arith.cmpi sgt, %shift_right_arithmetic3A_240, %sign3A_308 : i32
      %sign3A_310 = arith.extui %sign3A_309 : i1 to i32
      %sign3A_311 = arith.constant 0 : i32
      %sign3A_312 = arith.cmpi slt, %shift_right_arithmetic3A_240, %sign3A_311 : i32
      %sign3A_313 = arith.extui %sign3A_312 : i1 to i32
      %sign3A_314 = arith.subi %sign3A_310, %sign3A_313 : i32
      %sign3A_315 = arith.constant 0 : i32
      %sign3A_316 = arith.cmpi sgt, %jit3A_306, %sign3A_315 : i32
      %sign3A_317 = arith.extui %sign3A_316 : i1 to i32
      %sign3A_318 = arith.constant 0 : i32
      %sign3A_319 = arith.cmpi slt, %jit3A_306, %sign3A_318 : i32
      %sign3A_320 = arith.extui %sign3A_319 : i1 to i32
      %sign3A_321 = arith.subi %sign3A_317, %sign3A_320 : i32
      %ne3A_322 = arith.cmpi ne, %sign3A_314, %sign3A_321 : i32
      %rem3A_323 = arith.remsi %shift_right_arithmetic3A_240, %jit3A_306 : i32
      %ne3A_324 = arith.constant 0 : i32
      %ne3A_325 = arith.cmpi ne, %rem3A_323, %ne3A_324 : i32
      %and3A_326 = arith.andi %ne3A_322, %ne3A_325 : i1
      %sub3A_327 = arith.constant 1 : i32
      %sub3A_328 = arith.subi %div3A_307, %sub3A_327 : i32
      %select_n3A_329 = arith.select %and3A_326, %sub3A_328, %div3A_307 : i32
      %mul3A_330 = arith.constant 78 : i32
      %mul3A_331 = arith.muli %select_n3A_329, %mul3A_330 : i32
      %sub3A_332 = arith.subi %shift_right_arithmetic3A_240, %mul3A_331 : i32
      %mul3A_333 = arith.constant 128 : i32
      %mul3A_334 = arith.muli %sub3A_332, %mul3A_333 : i32
      %mul3A_335 = arith.constant 64 : i32
      %mul3A_336 = arith.muli %and3A_242, %mul3A_335 : i32
      %add3A_337 = arith.addi %mul3A_334, %mul3A_336 : i32
      %dma_wait3A_338 = arith.constant 0 : i32
      %dma_wait3A_339 = arith.constant 0 : i32
      %dma_wait3A_340 = tpu.memref_slice %arg8[%and3A_244, %dma_wait3A_338, %dma_wait3A_339] : memref<2x64x512xf32, #tpu.memory_space<vmem>> -> memref<1x64x512xf32, #tpu.memory_space<vmem>>
      %dma_wait3A_341 = tpu.memref_squeeze %dma_wait3A_340 : memref<1x64x512xf32, #tpu.memory_space<vmem>> -> memref<64x512xf32, #tpu.memory_space<vmem>>
      %dma_wait3A_342 = arith.constant 0 : i32
      %dma_wait3A_343 = tpu.memref_slice %arg4[%select_n3A_329, %add3A_337, %dma_wait3A_342] : memref<3x10000x512xf32, #tpu.memory_space<hbm>> -> memref<1x64x512xf32, #tpu.memory_space<hbm>>
      %dma_wait3A_344 = tpu.memref_squeeze %dma_wait3A_343 : memref<1x64x512xf32, #tpu.memory_space<hbm>> -> memref<64x512xf32, #tpu.memory_space<hbm>>
      %dma_wait3A_345 = tpu.memref_slice %arg11[%and3A_244] : memref<2x!tpu.dma_semaphore, #tpu.memory_space<semaphore_mem>> -> memref<1x!tpu.dma_semaphore, #tpu.memory_space<semaphore_mem>>
      %dma_wait3A_346 = tpu.memref_squeeze %dma_wait3A_345 : memref<1x!tpu.dma_semaphore, #tpu.memory_space<semaphore_mem>> -> memref<!tpu.dma_semaphore, #tpu.memory_space<semaphore_mem>>
      %dma_wait3A_347 = arith.constant 0 : i32
      %dma_wait3A_348 = arith.constant 0 : i32
      %dma_wait3A_349 = tpu.memref_slice %arg8[%and3A_244, %dma_wait3A_347, %dma_wait3A_348] : memref<2x64x512xf32, #tpu.memory_space<vmem>> -> memref<1x64x512xf32, #tpu.memory_space<vmem>>
      %dma_wait3A_350 = tpu.memref_squeeze %dma_wait3A_349 : memref<1x64x512xf32, #tpu.memory_space<vmem>> -> memref<64x512xf32, #tpu.memory_space<vmem>>
      %dma_wait3A_351 = arith.constant 0 : i32
      %dma_wait3A_352 = tpu.memref_slice %arg4[%select_n3A_329, %add3A_337, %dma_wait3A_351] : memref<3x10000x512xf32, #tpu.memory_space<hbm>> -> memref<1x64x512xf32, #tpu.memory_space<hbm>>
      %dma_wait3A_353 = tpu.memref_squeeze %dma_wait3A_352 : memref<1x64x512xf32, #tpu.memory_space<hbm>> -> memref<64x512xf32, #tpu.memory_space<hbm>>
      tpu.wait_dma2 semaphore(%dma_wait3A_346 : memref<!tpu.dma_semaphore, #tpu.memory_space<semaphore_mem>>) src(%dma_wait3A_353 : memref<64x512xf32, #tpu.memory_space<hbm>>) dst(%dma_wait3A_350 : memref<64x512xf32, #tpu.memory_space<vmem>>)
      %eq3A = arith.constant 0 : i32
      %eq3A_354 = arith.cmpi eq, %and3A_242, %eq3A : i32
      %add3A_355 = arith.constant 2 : i32
      %add3A_356 = arith.addi %add3A_16, %add3A_355 : i32
      %ge3A = arith.cmpi sge, %shift_right_arithmetic3A_240, %add3A_356 : i32
      %and3A_357 = arith.andi %eq3A_354, %ge3A : i1
      %convert_element_type3A_358 = arith.extui %and3A_357 : i1 to i32
      %cond3A_359 = arith.constant 0 : i32
      %cond3A_360 = arith.cmpi ne, %convert_element_type3A_358, %cond3A_359 : i32
      scf.if %cond3A_360 {
        %sub3A_368 = arith.constant 2 : i32
        %sub3A_369 = arith.subi %shift_right_arithmetic3A_240, %sub3A_368 : i32
        %jit3A_370 = arith.constant 78 : i32
        %div3A_371 = arith.divsi %sub3A_369, %jit3A_370 : i32
        %sign3A_372 = arith.constant 0 : i32
        %sign3A_373 = arith.cmpi sgt, %sub3A_369, %sign3A_372 : i32
        %sign3A_374 = arith.extui %sign3A_373 : i1 to i32
        %sign3A_375 = arith.constant 0 : i32
        %sign3A_376 = arith.cmpi slt, %sub3A_369, %sign3A_375 : i32
        %sign3A_377 = arith.extui %sign3A_376 : i1 to i32
        %sign3A_378 = arith.subi %sign3A_374, %sign3A_377 : i32
        %sign3A_379 = arith.constant 0 : i32
        %sign3A_380 = arith.cmpi sgt, %jit3A_370, %sign3A_379 : i32
        %sign3A_381 = arith.extui %sign3A_380 : i1 to i32
        %sign3A_382 = arith.constant 0 : i32
        %sign3A_383 = arith.cmpi slt, %jit3A_370, %sign3A_382 : i32
        %sign3A_384 = arith.extui %sign3A_383 : i1 to i32
        %sign3A_385 = arith.subi %sign3A_381, %sign3A_384 : i32
        %ne3A_386 = arith.cmpi ne, %sign3A_378, %sign3A_385 : i32
        %rem3A_387 = arith.remsi %sub3A_369, %jit3A_370 : i32
        %ne3A_388 = arith.constant 0 : i32
        %ne3A_389 = arith.cmpi ne, %rem3A_387, %ne3A_388 : i32
        %and3A_390 = arith.andi %ne3A_386, %ne3A_389 : i1
        %sub3A_391 = arith.constant 1 : i32
        %sub3A_392 = arith.subi %div3A_371, %sub3A_391 : i32
        %select_n3A_393 = arith.select %and3A_390, %sub3A_392, %div3A_371 : i32
        %mul3A_394 = arith.constant 78 : i32
        %mul3A_395 = arith.muli %select_n3A_393, %mul3A_394 : i32
        %sub3A_396 = arith.subi %sub3A_369, %mul3A_395 : i32
        %mul3A_397 = arith.constant 128 : i32
        %mul3A_398 = arith.muli %sub3A_396, %mul3A_397 : i32
        %dma_wait3A_399 = arith.constant 0 : i32
        %dma_wait3A_400 = arith.constant 0 : i32
        %dma_wait3A_401 = tpu.memref_slice %arg9[%and3A_246, %dma_wait3A_399, %dma_wait3A_400] : memref<2x64x128xf32, #tpu.memory_space<vmem>> -> memref<1x64x128xf32, #tpu.memory_space<vmem>>
        %dma_wait3A_402 = tpu.memref_squeeze %dma_wait3A_401 : memref<1x64x128xf32, #tpu.memory_space<vmem>> -> memref<64x128xf32, #tpu.memory_space<vmem>>
        %dma_wait3A_403 = arith.constant 0 : i32
        %dma_wait3A_404 = tpu.memref_slice %arg5[%select_n3A_393, %dma_wait3A_403, %mul3A_398] : memref<3x64x10000xf32, #tpu.memory_space<hbm>> -> memref<1x64x128xf32, #tpu.memory_space<hbm>>
        %dma_wait3A_405 = tpu.memref_squeeze %dma_wait3A_404 : memref<1x64x128xf32, #tpu.memory_space<hbm>> -> memref<64x128xf32, #tpu.memory_space<hbm>>
        %dma_wait3A_406 = tpu.memref_slice %arg12[%and3A_246] : memref<2x!tpu.dma_semaphore, #tpu.memory_space<semaphore_mem>> -> memref<1x!tpu.dma_semaphore, #tpu.memory_space<semaphore_mem>>
        %dma_wait3A_407 = tpu.memref_squeeze %dma_wait3A_406 : memref<1x!tpu.dma_semaphore, #tpu.memory_space<semaphore_mem>> -> memref<!tpu.dma_semaphore, #tpu.memory_space<semaphore_mem>>
        %dma_wait3A_408 = arith.constant 0 : i32
        %dma_wait3A_409 = tpu.memref_slice %arg5[%select_n3A_393, %dma_wait3A_408, %mul3A_398] : memref<3x64x10000xf32, #tpu.memory_space<hbm>> -> memref<1x64x128xf32, #tpu.memory_space<hbm>>
        %dma_wait3A_410 = tpu.memref_squeeze %dma_wait3A_409 : memref<1x64x128xf32, #tpu.memory_space<hbm>> -> memref<64x128xf32, #tpu.memory_space<hbm>>
        %dma_wait3A_411 = arith.constant 0 : i32
        %dma_wait3A_412 = arith.constant 0 : i32
        %dma_wait3A_413 = tpu.memref_slice %arg9[%and3A_246, %dma_wait3A_411, %dma_wait3A_412] : memref<2x64x128xf32, #tpu.memory_space<vmem>> -> memref<1x64x128xf32, #tpu.memory_space<vmem>>
        %dma_wait3A_414 = tpu.memref_squeeze %dma_wait3A_413 : memref<1x64x128xf32, #tpu.memory_space<vmem>> -> memref<64x128xf32, #tpu.memory_space<vmem>>
        tpu.wait_dma2 semaphore(%dma_wait3A_407 : memref<!tpu.dma_semaphore, #tpu.memory_space<semaphore_mem>>) src(%dma_wait3A_414 : memref<64x128xf32, #tpu.memory_space<vmem>>) dst(%dma_wait3A_410 : memref<64x128xf32, #tpu.memory_space<hbm>>)
      } else {
      }
      %parallel_loop3A = arith.constant 0 : i32
      %parallel_loop3A_361 = arith.constant 64 : i32
      %parallel_loop3A_362 = arith.constant 1 : i32
      scf.for %parallel_loop3A_368 = %parallel_loop3A to %parallel_loop3A_361 step %parallel_loop3A_362  : i32 {
        %parallel_loop3A_369 = arith.constant 3 : i32
        %parallel_loop3A_370 = arith.shrsi %parallel_loop3A_368, %parallel_loop3A_369 : i32
        %parallel_loop3A_371 = arith.constant 7 : i32
        %parallel_loop3A_372 = arith.andi %parallel_loop3A_368, %parallel_loop3A_371 : i32
        %parallel_loop3A_373 = arith.constant 16 : i32
        %parallel_loop3A_374 = arith.muli %parallel_loop3A_372, %parallel_loop3A_373 : i32
        %parallel_loop3A_375 = arith.index_cast %parallel_loop3A_370 : i32 to index
        %parallel_loop3A_376 = arith.index_cast %parallel_loop3A_374 : i32 to index
        %parallel_loop3A_377 = tpu.vector_load %arg6[%parallel_loop3A_375, %parallel_loop3A_376] {strides = array<i32>} : memref<8x128xi32, #tpu.memory_space<vmem>>, vector<16xi32>,
        %parallel_loop3A_378 = arith.constant 3 : i32
        %parallel_loop3A_379 = arith.shrsi %parallel_loop3A_368, %parallel_loop3A_378 : i32
        %parallel_loop3A_380 = arith.constant 7 : i32
        %parallel_loop3A_381 = arith.andi %parallel_loop3A_368, %parallel_loop3A_380 : i32
        %parallel_loop3A_382 = arith.constant 16 : i32
        %parallel_loop3A_383 = arith.muli %parallel_loop3A_381, %parallel_loop3A_382 : i32
        %parallel_loop3A_384 = arith.index_cast %parallel_loop3A_379 : i32 to index
        %parallel_loop3A_385 = arith.index_cast %parallel_loop3A_383 : i32 to index
        %parallel_loop3A_386 = tpu.vector_load %arg7[%parallel_loop3A_384, %parallel_loop3A_385] {strides = array<i32>} : memref<8x128xf32, #tpu.memory_space<vmem>>, vector<16xf32>,
        %parallel_loop3A_387 = arith.constant 1.000000e+00 : f32
        %parallel_loop3A_388 = vector.broadcast %parallel_loop3A_387 : f32 to vector<16xf32>
        %parallel_loop3A_389 = arith.subf %parallel_loop3A_388, %parallel_loop3A_386 : vector<16xf32>
        %parallel_loop3A_390 = arith.constant 1 : i32
        %parallel_loop3A_391 = vector.broadcast %parallel_loop3A_390 : i32 to vector<16xi32>
        %parallel_loop3A_392 = arith.addi %parallel_loop3A_377, %parallel_loop3A_391 : vector<16xi32>
        %parallel_loop3A_393 = arith.constant 0 : i32
        %parallel_loop3A_394 = arith.constant 0 : i32
        %parallel_loop3A_395 = tpu.memref_slice %arg8[%and3A_244, %parallel_loop3A_393, %parallel_loop3A_394] : memref<2x64x512xf32, #tpu.memory_space<vmem>> -> memref<1x64x512xf32, #tpu.memory_space<vmem>>
        %parallel_loop3A_396 = tpu.memref_squeeze %parallel_loop3A_395 : memref<1x64x512xf32, #tpu.memory_space<vmem>> -> memref<64x512xf32, #tpu.memory_space<vmem>>
        %parallel_loop3A_397 = tpu.vector_load_idx %parallel_loop3A_396[%add3A_3, %parallel_loop3A_377] : memref<64x512xf32, #tpu.memory_space<vmem>>[vector<16xi32>, vector<16xi32>], vector<16xf32>,
        %parallel_loop3A_398 = arith.constant 0 : i32
        %parallel_loop3A_399 = arith.constant 0 : i32
        %parallel_loop3A_400 = tpu.memref_slice %arg8[%and3A_244, %parallel_loop3A_398, %parallel_loop3A_399] : memref<2x64x512xf32, #tpu.memory_space<vmem>> -> memref<1x64x512xf32, #tpu.memory_space<vmem>>
        %parallel_loop3A_401 = tpu.memref_squeeze %parallel_loop3A_400 : memref<1x64x512xf32, #tpu.memory_space<vmem>> -> memref<64x512xf32, #tpu.memory_space<vmem>>
        %parallel_loop3A_402 = tpu.vector_load_idx %parallel_loop3A_401[%add3A_3, %parallel_loop3A_392] : memref<64x512xf32, #tpu.memory_space<vmem>>[vector<16xi32>, vector<16xi32>], vector<16xf32>,
        %parallel_loop3A_403 = arith.mulf %parallel_loop3A_397, %parallel_loop3A_389 : vector<16xf32>
        %parallel_loop3A_404 = arith.mulf %parallel_loop3A_402, %parallel_loop3A_386 : vector<16xf32>
        %parallel_loop3A_405 = arith.addf %parallel_loop3A_403, %parallel_loop3A_404 : vector<16xf32>
        %parallel_loop3A_406 = arith.constant 64 : i32
        %parallel_loop3A_407 = arith.muli %and3A_242, %parallel_loop3A_406 : i32
        %parallel_loop3A_408 = arith.constant 0 : i32
        %parallel_loop3A_409 = arith.addi %parallel_loop3A_407, %parallel_loop3A_408 : i32
        %parallel_loop3A_410 = arith.index_cast %and3A_246 : i32 to index
        %parallel_loop3A_411 = arith.index_cast %parallel_loop3A_368 : i32 to index
        %parallel_loop3A_412 = arith.index_cast %parallel_loop3A_409 : i32 to index
        %parallel_loop3A_413 = tpu.vector_load %arg9[%parallel_loop3A_410, %parallel_loop3A_411, %parallel_loop3A_412] {strides = array<i32>} : memref<2x64x128xf32, #tpu.memory_space<vmem>>, vector<16xf32>,
        tpu.vector_store %arg9[%parallel_loop3A_410, %parallel_loop3A_411, %parallel_loop3A_412], %parallel_loop3A_405 {strides = array<i32>} : memref<2x64x128xf32, #tpu.memory_space<vmem>>, vector<16xf32>,
        %parallel_loop3A_414 = arith.constant 0 : i32
        %parallel_loop3A_415 = arith.constant 0 : i32
        %parallel_loop3A_416 = tpu.memref_slice %arg8[%and3A_244, %parallel_loop3A_414, %parallel_loop3A_415] : memref<2x64x512xf32, #tpu.memory_space<vmem>> -> memref<1x64x512xf32, #tpu.memory_space<vmem>>
        %parallel_loop3A_417 = tpu.memref_squeeze %parallel_loop3A_416 : memref<1x64x512xf32, #tpu.memory_space<vmem>> -> memref<64x512xf32, #tpu.memory_space<vmem>>
        %parallel_loop3A_418 = tpu.vector_load_idx %parallel_loop3A_417[%add3A_6, %parallel_loop3A_377] : memref<64x512xf32, #tpu.memory_space<vmem>>[vector<16xi32>, vector<16xi32>], vector<16xf32>,
        %parallel_loop3A_419 = arith.constant 0 : i32
        %parallel_loop3A_420 = arith.constant 0 : i32
        %parallel_loop3A_421 = tpu.memref_slice %arg8[%and3A_244, %parallel_loop3A_419, %parallel_loop3A_420] : memref<2x64x512xf32, #tpu.memory_space<vmem>> -> memref<1x64x512xf32, #tpu.memory_space<vmem>>
        %parallel_loop3A_422 = tpu.memref_squeeze %parallel_loop3A_421 : memref<1x64x512xf32, #tpu.memory_space<vmem>> -> memref<64x512xf32, #tpu.memory_space<vmem>>
        %parallel_loop3A_423 = tpu.vector_load_idx %parallel_loop3A_422[%add3A_6, %parallel_loop3A_392] : memref<64x512xf32, #tpu.memory_space<vmem>>[vector<16xi32>, vector<16xi32>], vector<16xf32>,
        %parallel_loop3A_424 = arith.mulf %parallel_loop3A_418, %parallel_loop3A_389 : vector<16xf32>
        %parallel_loop3A_425 = arith.mulf %parallel_loop3A_423, %parallel_loop3A_386 : vector<16xf32>
        %parallel_loop3A_426 = arith.addf %parallel_loop3A_424, %parallel_loop3A_425 : vector<16xf32>
        %parallel_loop3A_427 = arith.constant 64 : i32
        %parallel_loop3A_428 = arith.muli %and3A_242, %parallel_loop3A_427 : i32
        %parallel_loop3A_429 = arith.constant 16 : i32
        %parallel_loop3A_430 = arith.addi %parallel_loop3A_428, %parallel_loop3A_429 : i32
        %parallel_loop3A_431 = arith.index_cast %and3A_246 : i32 to index
        %parallel_loop3A_432 = arith.index_cast %parallel_loop3A_368 : i32 to index
        %parallel_loop3A_433 = arith.index_cast %parallel_loop3A_430 : i32 to index
        %parallel_loop3A_434 = tpu.vector_load %arg9[%parallel_loop3A_431, %parallel_loop3A_432, %parallel_loop3A_433] {strides = array<i32>} : memref<2x64x128xf32, #tpu.memory_space<vmem>>, vector<16xf32>,
        tpu.vector_store %arg9[%parallel_loop3A_431, %parallel_loop3A_432, %parallel_loop3A_433], %parallel_loop3A_426 {strides = array<i32>} : memref<2x64x128xf32, #tpu.memory_space<vmem>>, vector<16xf32>,
        %parallel_loop3A_435 = arith.constant 0 : i32
        %parallel_loop3A_436 = arith.constant 0 : i32
        %parallel_loop3A_437 = tpu.memref_slice %arg8[%and3A_244, %parallel_loop3A_435, %parallel_loop3A_436] : memref<2x64x512xf32, #tpu.memory_space<vmem>> -> memref<1x64x512xf32, #tpu.memory_space<vmem>>
        %parallel_loop3A_438 = tpu.memref_squeeze %parallel_loop3A_437 : memref<1x64x512xf32, #tpu.memory_space<vmem>> -> memref<64x512xf32, #tpu.memory_space<vmem>>
        %parallel_loop3A_439 = tpu.vector_load_idx %parallel_loop3A_438[%add3A_9, %parallel_loop3A_377] : memref<64x512xf32, #tpu.memory_space<vmem>>[vector<16xi32>, vector<16xi32>], vector<16xf32>,
        %parallel_loop3A_440 = arith.constant 0 : i32
        %parallel_loop3A_441 = arith.constant 0 : i32
        %parallel_loop3A_442 = tpu.memref_slice %arg8[%and3A_244, %parallel_loop3A_440, %parallel_loop3A_441] : memref<2x64x512xf32, #tpu.memory_space<vmem>> -> memref<1x64x512xf32, #tpu.memory_space<vmem>>
        %parallel_loop3A_443 = tpu.memref_squeeze %parallel_loop3A_442 : memref<1x64x512xf32, #tpu.memory_space<vmem>> -> memref<64x512xf32, #tpu.memory_space<vmem>>
        %parallel_loop3A_444 = tpu.vector_load_idx %parallel_loop3A_443[%add3A_9, %parallel_loop3A_392] : memref<64x512xf32, #tpu.memory_space<vmem>>[vector<16xi32>, vector<16xi32>], vector<16xf32>,
        %parallel_loop3A_445 = arith.mulf %parallel_loop3A_439, %parallel_loop3A_389 : vector<16xf32>
        %parallel_loop3A_446 = arith.mulf %parallel_loop3A_444, %parallel_loop3A_386 : vector<16xf32>
        %parallel_loop3A_447 = arith.addf %parallel_loop3A_445, %parallel_loop3A_446 : vector<16xf32>
        %parallel_loop3A_448 = arith.constant 64 : i32
        %parallel_loop3A_449 = arith.muli %and3A_242, %parallel_loop3A_448 : i32
        %parallel_loop3A_450 = arith.constant 32 : i32
        %parallel_loop3A_451 = arith.addi %parallel_loop3A_449, %parallel_loop3A_450 : i32
        %parallel_loop3A_452 = arith.index_cast %and3A_246 : i32 to index
        %parallel_loop3A_453 = arith.index_cast %parallel_loop3A_368 : i32 to index
        %parallel_loop3A_454 = arith.index_cast %parallel_loop3A_451 : i32 to index
        %parallel_loop3A_455 = tpu.vector_load %arg9[%parallel_loop3A_452, %parallel_loop3A_453, %parallel_loop3A_454] {strides = array<i32>} : memref<2x64x128xf32, #tpu.memory_space<vmem>>, vector<16xf32>,
        tpu.vector_store %arg9[%parallel_loop3A_452, %parallel_loop3A_453, %parallel_loop3A_454], %parallel_loop3A_447 {strides = array<i32>} : memref<2x64x128xf32, #tpu.memory_space<vmem>>, vector<16xf32>,
        %parallel_loop3A_456 = arith.constant 0 : i32
        %parallel_loop3A_457 = arith.constant 0 : i32
        %parallel_loop3A_458 = tpu.memref_slice %arg8[%and3A_244, %parallel_loop3A_456, %parallel_loop3A_457] : memref<2x64x512xf32, #tpu.memory_space<vmem>> -> memref<1x64x512xf32, #tpu.memory_space<vmem>>
        %parallel_loop3A_459 = tpu.memref_squeeze %parallel_loop3A_458 : memref<1x64x512xf32, #tpu.memory_space<vmem>> -> memref<64x512xf32, #tpu.memory_space<vmem>>
        %parallel_loop3A_460 = tpu.vector_load_idx %parallel_loop3A_459[%add3A_12, %parallel_loop3A_377] : memref<64x512xf32, #tpu.memory_space<vmem>>[vector<16xi32>, vector<16xi32>], vector<16xf32>,
        %parallel_loop3A_461 = arith.constant 0 : i32
        %parallel_loop3A_462 = arith.constant 0 : i32
        %parallel_loop3A_463 = tpu.memref_slice %arg8[%and3A_244, %parallel_loop3A_461, %parallel_loop3A_462] : memref<2x64x512xf32, #tpu.memory_space<vmem>> -> memref<1x64x512xf32, #tpu.memory_space<vmem>>
        %parallel_loop3A_464 = tpu.memref_squeeze %parallel_loop3A_463 : memref<1x64x512xf32, #tpu.memory_space<vmem>> -> memref<64x512xf32, #tpu.memory_space<vmem>>
        %parallel_loop3A_465 = tpu.vector_load_idx %parallel_loop3A_464[%add3A_12, %parallel_loop3A_392] : memref<64x512xf32, #tpu.memory_space<vmem>>[vector<16xi32>, vector<16xi32>], vector<16xf32>,
        %parallel_loop3A_466 = arith.mulf %parallel_loop3A_460, %parallel_loop3A_389 : vector<16xf32>
        %parallel_loop3A_467 = arith.mulf %parallel_loop3A_465, %parallel_loop3A_386 : vector<16xf32>
        %parallel_loop3A_468 = arith.addf %parallel_loop3A_466, %parallel_loop3A_467 : vector<16xf32>
        %parallel_loop3A_469 = arith.constant 64 : i32
        %parallel_loop3A_470 = arith.muli %and3A_242, %parallel_loop3A_469 : i32
        %parallel_loop3A_471 = arith.constant 48 : i32
        %parallel_loop3A_472 = arith.addi %parallel_loop3A_470, %parallel_loop3A_471 : i32
        %parallel_loop3A_473 = arith.index_cast %and3A_246 : i32 to index
        %parallel_loop3A_474 = arith.index_cast %parallel_loop3A_368 : i32 to index
        %parallel_loop3A_475 = arith.index_cast %parallel_loop3A_472 : i32 to index
        %parallel_loop3A_476 = tpu.vector_load %arg9[%parallel_loop3A_473, %parallel_loop3A_474, %parallel_loop3A_475] {strides = array<i32>} : memref<2x64x128xf32, #tpu.memory_space<vmem>>, vector<16xf32>,
        tpu.vector_store %arg9[%parallel_loop3A_473, %parallel_loop3A_474, %parallel_loop3A_475], %parallel_loop3A_468 {strides = array<i32>} : memref<2x64x128xf32, #tpu.memory_space<vmem>>, vector<16xf32>,
      } {sc.loop_unroll_factor = 8 : i64, sc.parallel_access}
      %eq3A_363 = arith.constant 1 : i32
      %eq3A_364 = arith.cmpi eq, %and3A_242, %eq3A_363 : i32
      %convert_element_type3A_365 = arith.extui %eq3A_364 : i1 to i32
      %cond3A_366 = arith.constant 0 : i32
      %cond3A_367 = arith.cmpi ne, %convert_element_type3A_365, %cond3A_366 : i32
      scf.if %cond3A_367 {
        %jit3A_368 = arith.constant 78 : i32
        %div3A_369 = arith.divsi %shift_right_arithmetic3A_240, %jit3A_368 : i32
        %sign3A_370 = arith.constant 0 : i32
        %sign3A_371 = arith.cmpi sgt, %shift_right_arithmetic3A_240, %sign3A_370 : i32
        %sign3A_372 = arith.extui %sign3A_371 : i1 to i32
        %sign3A_373 = arith.constant 0 : i32
        %sign3A_374 = arith.cmpi slt, %shift_right_arithmetic3A_240, %sign3A_373 : i32
        %sign3A_375 = arith.extui %sign3A_374 : i1 to i32
        %sign3A_376 = arith.subi %sign3A_372, %sign3A_375 : i32
        %sign3A_377 = arith.constant 0 : i32
        %sign3A_378 = arith.cmpi sgt, %jit3A_368, %sign3A_377 : i32
        %sign3A_379 = arith.extui %sign3A_378 : i1 to i32
        %sign3A_380 = arith.constant 0 : i32
        %sign3A_381 = arith.cmpi slt, %jit3A_368, %sign3A_380 : i32
        %sign3A_382 = arith.extui %sign3A_381 : i1 to i32
        %sign3A_383 = arith.subi %sign3A_379, %sign3A_382 : i32
        %ne3A_384 = arith.cmpi ne, %sign3A_376, %sign3A_383 : i32
        %rem3A_385 = arith.remsi %shift_right_arithmetic3A_240, %jit3A_368 : i32
        %ne3A_386 = arith.constant 0 : i32
        %ne3A_387 = arith.cmpi ne, %rem3A_385, %ne3A_386 : i32
        %and3A_388 = arith.andi %ne3A_384, %ne3A_387 : i1
        %sub3A_389 = arith.constant 1 : i32
        %sub3A_390 = arith.subi %div3A_369, %sub3A_389 : i32
        %select_n3A_391 = arith.select %and3A_388, %sub3A_390, %div3A_369 : i32
        %mul3A_392 = arith.constant 78 : i32
        %mul3A_393 = arith.muli %select_n3A_391, %mul3A_392 : i32
        %sub3A_394 = arith.subi %shift_right_arithmetic3A_240, %mul3A_393 : i32
        %mul3A_395 = arith.constant 128 : i32
        %mul3A_396 = arith.muli %sub3A_394, %mul3A_395 : i32
        %dma_start3A_397 = arith.constant 0 : i32
        %dma_start3A_398 = arith.constant 0 : i32
        %dma_start3A_399 = tpu.memref_slice %arg9[%and3A_246, %dma_start3A_397, %dma_start3A_398] : memref<2x64x128xf32, #tpu.memory_space<vmem>> -> memref<1x64x128xf32, #tpu.memory_space<vmem>>
        %dma_start3A_400 = tpu.memref_squeeze %dma_start3A_399 : memref<1x64x128xf32, #tpu.memory_space<vmem>> -> memref<64x128xf32, #tpu.memory_space<vmem>>
        %dma_start3A_401 = arith.constant 0 : i32
        %dma_start3A_402 = tpu.memref_slice %arg5[%select_n3A_391, %dma_start3A_401, %mul3A_396] : memref<3x64x10000xf32, #tpu.memory_space<hbm>> -> memref<1x64x128xf32, #tpu.memory_space<hbm>>
        %dma_start3A_403 = tpu.memref_squeeze %dma_start3A_402 : memref<1x64x128xf32, #tpu.memory_space<hbm>> -> memref<64x128xf32, #tpu.memory_space<hbm>>
        %dma_start3A_404 = tpu.memref_slice %arg12[%and3A_246] : memref<2x!tpu.dma_semaphore, #tpu.memory_space<semaphore_mem>> -> memref<1x!tpu.dma_semaphore, #tpu.memory_space<semaphore_mem>>
        %dma_start3A_405 = tpu.memref_squeeze %dma_start3A_404 : memref<1x!tpu.dma_semaphore, #tpu.memory_space<semaphore_mem>> -> memref<!tpu.dma_semaphore, #tpu.memory_space<semaphore_mem>>
        %dma_start3A_406 = arith.constant 0 : i32
        %dma_start3A_407 = tpu.memref_slice %arg5[%select_n3A_391, %dma_start3A_406, %mul3A_396] : memref<3x64x10000xf32, #tpu.memory_space<hbm>> -> memref<1x64x128xf32, #tpu.memory_space<hbm>>
        %dma_start3A_408 = tpu.memref_squeeze %dma_start3A_407 : memref<1x64x128xf32, #tpu.memory_space<hbm>> -> memref<64x128xf32, #tpu.memory_space<hbm>>
        %dma_start3A_409 = arith.constant 0 : i32
        %dma_start3A_410 = arith.constant 0 : i32
        %dma_start3A_411 = tpu.memref_slice %arg9[%and3A_246, %dma_start3A_409, %dma_start3A_410] : memref<2x64x128xf32, #tpu.memory_space<vmem>> -> memref<1x64x128xf32, #tpu.memory_space<vmem>>
        %dma_start3A_412 = tpu.memref_squeeze %dma_start3A_411 : memref<1x64x128xf32, #tpu.memory_space<vmem>> -> memref<64x128xf32, #tpu.memory_space<vmem>>
        tpu.enqueue_dma source(%dma_start3A_412 : memref<64x128xf32, #tpu.memory_space<vmem>>) target(%dma_start3A_408 : memref<64x128xf32, #tpu.memory_space<hbm>>) target_semaphore(%dma_start3A_405 : memref<!tpu.dma_semaphore, #tpu.memory_space<semaphore_mem>>)
      } else {
      }
    }
    %sub3A_76 = arith.constant 1 : i32
    %sub3A_77 = arith.subi %add3A_21, %sub3A_76 : i32
    %jit3A_78 = arith.constant 78 : i32
    %div3A_79 = arith.divsi %sub3A_77, %jit3A_78 : i32
    %sign3A_80 = arith.constant 0 : i32
    %sign3A_81 = arith.cmpi sgt, %sub3A_77, %sign3A_80 : i32
    %sign3A_82 = arith.extui %sign3A_81 : i1 to i32
    %sign3A_83 = arith.constant 0 : i32
    %sign3A_84 = arith.cmpi slt, %sub3A_77, %sign3A_83 : i32
    %sign3A_85 = arith.extui %sign3A_84 : i1 to i32
    %sign3A_86 = arith.subi %sign3A_82, %sign3A_85 : i32
    %sign3A_87 = arith.constant 0 : i32
    %sign3A_88 = arith.cmpi sgt, %jit3A_78, %sign3A_87 : i32
    %sign3A_89 = arith.extui %sign3A_88 : i1 to i32
    %sign3A_90 = arith.constant 0 : i32
    %sign3A_91 = arith.cmpi slt, %jit3A_78, %sign3A_90 : i32
    %sign3A_92 = arith.extui %sign3A_91 : i1 to i32
    %sign3A_93 = arith.subi %sign3A_89, %sign3A_92 : i32
    %ne3A_94 = arith.cmpi ne, %sign3A_86, %sign3A_93 : i32
    %rem3A_95 = arith.remsi %sub3A_77, %jit3A_78 : i32
    %ne3A_96 = arith.constant 0 : i32
    %ne3A_97 = arith.cmpi ne, %rem3A_95, %ne3A_96 : i32
    %and3A_98 = arith.andi %ne3A_94, %ne3A_97 : i1
    %sub3A_99 = arith.constant 1 : i32
    %sub3A_100 = arith.subi %div3A_79, %sub3A_99 : i32
    %select_n3A_101 = arith.select %and3A_98, %sub3A_100, %div3A_79 : i32
    %mul3A_102 = arith.constant 78 : i32
    %mul3A_103 = arith.muli %select_n3A_101, %mul3A_102 : i32
    %sub3A_104 = arith.subi %sub3A_77, %mul3A_103 : i32
    %mul3A_105 = arith.constant 128 : i32
    %mul3A_106 = arith.muli %sub3A_104, %mul3A_105 : i32
    %add3A_107 = arith.constant 64 : i32
    %add3A_108 = arith.addi %mul3A_106, %add3A_107 : i32
    %dma_wait3A = arith.constant 0 : i32
    %dma_wait3A_109 = arith.constant 0 : i32
    %dma_wait3A_110 = arith.constant 0 : i32
    %dma_wait3A_111 = arith.constant 0 : i32
    %dma_wait3A_112 = tpu.memref_slice %arg8[%dma_wait3A, %dma_wait3A_110, %dma_wait3A_111] : memref<2x64x512xf32, #tpu.memory_space<vmem>> -> memref<1x64x512xf32, #tpu.memory_space<vmem>>
    %dma_wait3A_113 = tpu.memref_squeeze %dma_wait3A_112 : memref<1x64x512xf32, #tpu.memory_space<vmem>> -> memref<64x512xf32, #tpu.memory_space<vmem>>
    %dma_wait3A_114 = arith.constant 0 : i32
    %dma_wait3A_115 = tpu.memref_slice %arg4[%select_n3A_101, %add3A_108, %dma_wait3A_114] : memref<3x10000x512xf32, #tpu.memory_space<hbm>> -> memref<1x64x512xf32, #tpu.memory_space<hbm>>
    %dma_wait3A_116 = tpu.memref_squeeze %dma_wait3A_115 : memref<1x64x512xf32, #tpu.memory_space<hbm>> -> memref<64x512xf32, #tpu.memory_space<hbm>>
    %dma_wait3A_117 = tpu.memref_slice %arg11[%dma_wait3A_109] : memref<2x!tpu.dma_semaphore, #tpu.memory_space<semaphore_mem>> -> memref<1x!tpu.dma_semaphore, #tpu.memory_space<semaphore_mem>>
    %dma_wait3A_118 = tpu.memref_squeeze %dma_wait3A_117 : memref<1x!tpu.dma_semaphore, #tpu.memory_space<semaphore_mem>> -> memref<!tpu.dma_semaphore, #tpu.memory_space<semaphore_mem>>
    %dma_wait3A_119 = arith.constant 0 : i32
    %dma_wait3A_120 = arith.constant 0 : i32
    %dma_wait3A_121 = tpu.memref_slice %arg8[%dma_wait3A, %dma_wait3A_119, %dma_wait3A_120] : memref<2x64x512xf32, #tpu.memory_space<vmem>> -> memref<1x64x512xf32, #tpu.memory_space<vmem>>
    %dma_wait3A_122 = tpu.memref_squeeze %dma_wait3A_121 : memref<1x64x512xf32, #tpu.memory_space<vmem>> -> memref<64x512xf32, #tpu.memory_space<vmem>>
    %dma_wait3A_123 = arith.constant 0 : i32
    %dma_wait3A_124 = tpu.memref_slice %arg4[%select_n3A_101, %add3A_108, %dma_wait3A_123] : memref<3x10000x512xf32, #tpu.memory_space<hbm>> -> memref<1x64x512xf32, #tpu.memory_space<hbm>>
    %dma_wait3A_125 = tpu.memref_squeeze %dma_wait3A_124 : memref<1x64x512xf32, #tpu.memory_space<hbm>> -> memref<64x512xf32, #tpu.memory_space<hbm>>
    tpu.wait_dma2 semaphore(%dma_wait3A_118 : memref<!tpu.dma_semaphore, #tpu.memory_space<semaphore_mem>>) src(%dma_wait3A_125 : memref<64x512xf32, #tpu.memory_space<hbm>>) dst(%dma_wait3A_122 : memref<64x512xf32, #tpu.memory_space<vmem>>)
    %sub3A_126 = arith.constant 2 : i32
    %sub3A_127 = arith.subi %add3A_21, %sub3A_126 : i32
    %add3A_128 = arith.constant 0 : i32
    %add3A_129 = arith.addi %sub3A_127, %add3A_128 : i32
    %sub3A_130 = arith.constant 2 : i32
    %sub3A_131 = arith.subi %add3A_21, %sub3A_130 : i32
    %add3A_132 = arith.constant 0 : i32
    %add3A_133 = arith.addi %sub3A_131, %add3A_132 : i32
    %and3A_134 = arith.constant 1 : i32
    %and3A_135 = arith.andi %add3A_133, %and3A_134 : i32
    %jit3A_136 = arith.constant 78 : i32
    %div3A_137 = arith.divsi %add3A_129, %jit3A_136 : i32
    %sign3A_138 = arith.constant 0 : i32
    %sign3A_139 = arith.cmpi sgt, %add3A_129, %sign3A_138 : i32
    %sign3A_140 = arith.extui %sign3A_139 : i1 to i32
    %sign3A_141 = arith.constant 0 : i32
    %sign3A_142 = arith.cmpi slt, %add3A_129, %sign3A_141 : i32
    %sign3A_143 = arith.extui %sign3A_142 : i1 to i32
    %sign3A_144 = arith.subi %sign3A_140, %sign3A_143 : i32
    %sign3A_145 = arith.constant 0 : i32
    %sign3A_146 = arith.cmpi sgt, %jit3A_136, %sign3A_145 : i32
    %sign3A_147 = arith.extui %sign3A_146 : i1 to i32
    %sign3A_148 = arith.constant 0 : i32
    %sign3A_149 = arith.cmpi slt, %jit3A_136, %sign3A_148 : i32
    %sign3A_150 = arith.extui %sign3A_149 : i1 to i32
    %sign3A_151 = arith.subi %sign3A_147, %sign3A_150 : i32
    %ne3A_152 = arith.cmpi ne, %sign3A_144, %sign3A_151 : i32
    %rem3A_153 = arith.remsi %add3A_129, %jit3A_136 : i32
    %ne3A_154 = arith.constant 0 : i32
    %ne3A_155 = arith.cmpi ne, %rem3A_153, %ne3A_154 : i32
    %and3A_156 = arith.andi %ne3A_152, %ne3A_155 : i1
    %sub3A_157 = arith.constant 1 : i32
    %sub3A_158 = arith.subi %div3A_137, %sub3A_157 : i32
    %select_n3A_159 = arith.select %and3A_156, %sub3A_158, %div3A_137 : i32
    %mul3A_160 = arith.constant 78 : i32
    %mul3A_161 = arith.muli %select_n3A_159, %mul3A_160 : i32
    %sub3A_162 = arith.subi %add3A_129, %mul3A_161 : i32
    %mul3A_163 = arith.constant 128 : i32
    %mul3A_164 = arith.muli %sub3A_162, %mul3A_163 : i32
    %dma_wait3A_165 = arith.constant 0 : i32
    %dma_wait3A_166 = arith.constant 0 : i32
    %dma_wait3A_167 = tpu.memref_slice %arg9[%and3A_135, %dma_wait3A_165, %dma_wait3A_166] : memref<2x64x128xf32, #tpu.memory_space<vmem>> -> memref<1x64x128xf32, #tpu.memory_space<vmem>>
    %dma_wait3A_168 = tpu.memref_squeeze %dma_wait3A_167 : memref<1x64x128xf32, #tpu.memory_space<vmem>> -> memref<64x128xf32, #tpu.memory_space<vmem>>
    %dma_wait3A_169 = arith.constant 0 : i32
    %dma_wait3A_170 = tpu.memref_slice %arg5[%select_n3A_159, %dma_wait3A_169, %mul3A_164] : memref<3x64x10000xf32, #tpu.memory_space<hbm>> -> memref<1x64x128xf32, #tpu.memory_space<hbm>>
    %dma_wait3A_171 = tpu.memref_squeeze %dma_wait3A_170 : memref<1x64x128xf32, #tpu.memory_space<hbm>> -> memref<64x128xf32, #tpu.memory_space<hbm>>
    %dma_wait3A_172 = tpu.memref_slice %arg12[%and3A_135] : memref<2x!tpu.dma_semaphore, #tpu.memory_space<semaphore_mem>> -> memref<1x!tpu.dma_semaphore, #tpu.memory_space<semaphore_mem>>
    %dma_wait3A_173 = tpu.memref_squeeze %dma_wait3A_172 : memref<1x!tpu.dma_semaphore, #tpu.memory_space<semaphore_mem>> -> memref<!tpu.dma_semaphore, #tpu.memory_space<semaphore_mem>>
    %dma_wait3A_174 = arith.constant 0 : i32
    %dma_wait3A_175 = tpu.memref_slice %arg5[%select_n3A_159, %dma_wait3A_174, %mul3A_164] : memref<3x64x10000xf32, #tpu.memory_space<hbm>> -> memref<1x64x128xf32, #tpu.memory_space<hbm>>
    %dma_wait3A_176 = tpu.memref_squeeze %dma_wait3A_175 : memref<1x64x128xf32, #tpu.memory_space<hbm>> -> memref<64x128xf32, #tpu.memory_space<hbm>>
    %dma_wait3A_177 = arith.constant 0 : i32
    %dma_wait3A_178 = arith.constant 0 : i32
    %dma_wait3A_179 = tpu.memref_slice %arg9[%and3A_135, %dma_wait3A_177, %dma_wait3A_178] : memref<2x64x128xf32, #tpu.memory_space<vmem>> -> memref<1x64x128xf32, #tpu.memory_space<vmem>>
    %dma_wait3A_180 = tpu.memref_squeeze %dma_wait3A_179 : memref<1x64x128xf32, #tpu.memory_space<vmem>> -> memref<64x128xf32, #tpu.memory_space<vmem>>
    tpu.wait_dma2 semaphore(%dma_wait3A_173 : memref<!tpu.dma_semaphore, #tpu.memory_space<semaphore_mem>>) src(%dma_wait3A_180 : memref<64x128xf32, #tpu.memory_space<vmem>>) dst(%dma_wait3A_176 : memref<64x128xf32, #tpu.memory_space<hbm>>)
    %sub3A_181 = arith.constant 2 : i32
    %sub3A_182 = arith.subi %add3A_21, %sub3A_181 : i32
    %add3A_183 = arith.constant 1 : i32
    %add3A_184 = arith.addi %sub3A_182, %add3A_183 : i32
    %sub3A_185 = arith.constant 2 : i32
    %sub3A_186 = arith.subi %add3A_21, %sub3A_185 : i32
    %add3A_187 = arith.constant 1 : i32
    %add3A_188 = arith.addi %sub3A_186, %add3A_187 : i32
    %and3A_189 = arith.constant 1 : i32
    %and3A_190 = arith.andi %add3A_188, %and3A_189 : i32
    %jit3A_191 = arith.constant 78 : i32
    %div3A_192 = arith.divsi %add3A_184, %jit3A_191 : i32
    %sign3A_193 = arith.constant 0 : i32
    %sign3A_194 = arith.cmpi sgt, %add3A_184, %sign3A_193 : i32
    %sign3A_195 = arith.extui %sign3A_194 : i1 to i32
    %sign3A_196 = arith.constant 0 : i32
    %sign3A_197 = arith.cmpi slt, %add3A_184, %sign3A_196 : i32
    %sign3A_198 = arith.extui %sign3A_197 : i1 to i32
    %sign3A_199 = arith.subi %sign3A_195, %sign3A_198 : i32
    %sign3A_200 = arith.constant 0 : i32
    %sign3A_201 = arith.cmpi sgt, %jit3A_191, %sign3A_200 : i32
    %sign3A_202 = arith.extui %sign3A_201 : i1 to i32
    %sign3A_203 = arith.constant 0 : i32
    %sign3A_204 = arith.cmpi slt, %jit3A_191, %sign3A_203 : i32
    %sign3A_205 = arith.extui %sign3A_204 : i1 to i32
    %sign3A_206 = arith.subi %sign3A_202, %sign3A_205 : i32
    %ne3A_207 = arith.cmpi ne, %sign3A_199, %sign3A_206 : i32
    %rem3A_208 = arith.remsi %add3A_184, %jit3A_191 : i32
    %ne3A_209 = arith.constant 0 : i32
    %ne3A_210 = arith.cmpi ne, %rem3A_208, %ne3A_209 : i32
    %and3A_211 = arith.andi %ne3A_207, %ne3A_210 : i1
    %sub3A_212 = arith.constant 1 : i32
    %sub3A_213 = arith.subi %div3A_192, %sub3A_212 : i32
    %select_n3A_214 = arith.select %and3A_211, %sub3A_213, %div3A_192 : i32
    %mul3A_215 = arith.constant 78 : i32
    %mul3A_216 = arith.muli %select_n3A_214, %mul3A_215 : i32
    %sub3A_217 = arith.subi %add3A_184, %mul3A_216 : i32
    %mul3A_218 = arith.constant 128 : i32
    %mul3A_219 = arith.muli %sub3A_217, %mul3A_218 : i32
    %dma_wait3A_220 = arith.constant 0 : i32
    %dma_wait3A_221 = arith.constant 0 : i32
    %dma_wait3A_222 = tpu.memref_slice %arg9[%and3A_190, %dma_wait3A_220, %dma_wait3A_221] : memref<2x64x128xf32, #tpu.memory_space<vmem>> -> memref<1x64x128xf32, #tpu.memory_space<vmem>>
    %dma_wait3A_223 = tpu.memref_squeeze %dma_wait3A_222 : memref<1x64x128xf32, #tpu.memory_space<vmem>> -> memref<64x128xf32, #tpu.memory_space<vmem>>
    %dma_wait3A_224 = arith.constant 0 : i32
    %dma_wait3A_225 = tpu.memref_slice %arg5[%select_n3A_214, %dma_wait3A_224, %mul3A_219] : memref<3x64x10000xf32, #tpu.memory_space<hbm>> -> memref<1x64x128xf32, #tpu.memory_space<hbm>>
    %dma_wait3A_226 = tpu.memref_squeeze %dma_wait3A_225 : memref<1x64x128xf32, #tpu.memory_space<hbm>> -> memref<64x128xf32, #tpu.memory_space<hbm>>
    %dma_wait3A_227 = tpu.memref_slice %arg12[%and3A_190] : memref<2x!tpu.dma_semaphore, #tpu.memory_space<semaphore_mem>> -> memref<1x!tpu.dma_semaphore, #tpu.memory_space<semaphore_mem>>
    %dma_wait3A_228 = tpu.memref_squeeze %dma_wait3A_227 : memref<1x!tpu.dma_semaphore, #tpu.memory_space<semaphore_mem>> -> memref<!tpu.dma_semaphore, #tpu.memory_space<semaphore_mem>>
    %dma_wait3A_229 = arith.constant 0 : i32
    %dma_wait3A_230 = tpu.memref_slice %arg5[%select_n3A_214, %dma_wait3A_229, %mul3A_219] : memref<3x64x10000xf32, #tpu.memory_space<hbm>> -> memref<1x64x128xf32, #tpu.memory_space<hbm>>
    %dma_wait3A_231 = tpu.memref_squeeze %dma_wait3A_230 : memref<1x64x128xf32, #tpu.memory_space<hbm>> -> memref<64x128xf32, #tpu.memory_space<hbm>>
    %dma_wait3A_232 = arith.constant 0 : i32
    %dma_wait3A_233 = arith.constant 0 : i32
    %dma_wait3A_234 = tpu.memref_slice %arg9[%and3A_190, %dma_wait3A_232, %dma_wait3A_233] : memref<2x64x128xf32, #tpu.memory_space<vmem>> -> memref<1x64x128xf32, #tpu.memory_space<vmem>>
    %dma_wait3A_235 = tpu.memref_squeeze %dma_wait3A_234 : memref<1x64x128xf32, #tpu.memory_space<vmem>> -> memref<64x128xf32, #tpu.memory_space<vmem>>
    tpu.wait_dma2 semaphore(%dma_wait3A_228 : memref<!tpu.dma_semaphore, #tpu.memory_space<semaphore_mem>>) src(%dma_wait3A_235 : memref<64x128xf32, #tpu.memory_space<vmem>>) dst(%dma_wait3A_231 : memref<64x128xf32, #tpu.memory_space<hbm>>)
    %lt3A_236 = arith.constant 3 : i32
    %lt3A_237 = arith.cmpi slt, %add3A, %lt3A_236 : i32
    %convert_element_type3A = arith.extui %lt3A_237 : i1 to i32
    %cond3A = arith.constant 0 : i32
    %cond3A_238 = arith.cmpi ne, %convert_element_type3A, %cond3A : i32
    scf.if %cond3A_238 {
      %run_scoped3A = arith.constant 0 : i32
      "tpu.region"() ({
        %run_scoped3A_244 = tpu.sem_alloc : memref<!tpu.dma_semaphore, #tpu.memory_space<semaphore_mem>>
        %dma_start3A_245 = arith.constant 0 : i32
        %dma_start3A_246 = arith.constant 0 : i32
        %dma_start3A_247 = tpu.memref_slice %arg8[%run_scoped3A, %dma_start3A_245, %dma_start3A_246] : memref<2x64x512xf32, #tpu.memory_space<vmem>> -> memref<1x16x512xf32, #tpu.memory_space<vmem>>
        %dma_start3A_248 = tpu.memref_squeeze %dma_start3A_247 : memref<1x16x512xf32, #tpu.memory_space<vmem>> -> memref<16x512xf32, #tpu.memory_space<vmem>>
        %dma_start3A_249 = arith.constant 9984 : i32
        %dma_start3A_250 = arith.constant 0 : i32
        %dma_start3A_251 = tpu.memref_slice %arg4[%add3A, %dma_start3A_249, %dma_start3A_250] : memref<3x10000x512xf32, #tpu.memory_space<hbm>> -> memref<1x16x512xf32, #tpu.memory_space<hbm>>
        %dma_start3A_252 = tpu.memref_squeeze %dma_start3A_251 : memref<1x16x512xf32, #tpu.memory_space<hbm>> -> memref<16x512xf32, #tpu.memory_space<hbm>>
        %dma_start3A_253 = arith.constant 0 : i32
        %dma_start3A_254 = arith.constant 0 : i32
        %dma_start3A_255 = tpu.memref_slice %arg8[%run_scoped3A, %dma_start3A_253, %dma_start3A_254] : memref<2x64x512xf32, #tpu.memory_space<vmem>> -> memref<1x16x512xf32, #tpu.memory_space<vmem>>
        %dma_start3A_256 = tpu.memref_squeeze %dma_start3A_255 : memref<1x16x512xf32, #tpu.memory_space<vmem>> -> memref<16x512xf32, #tpu.memory_space<vmem>>
        %dma_start3A_257 = arith.constant 9984 : i32
        %dma_start3A_258 = arith.constant 0 : i32
        %dma_start3A_259 = tpu.memref_slice %arg4[%add3A, %dma_start3A_257, %dma_start3A_258] : memref<3x10000x512xf32, #tpu.memory_space<hbm>> -> memref<1x16x512xf32, #tpu.memory_space<hbm>>
        %dma_start3A_260 = tpu.memref_squeeze %dma_start3A_259 : memref<1x16x512xf32, #tpu.memory_space<hbm>> -> memref<16x512xf32, #tpu.memory_space<hbm>>
        tpu.enqueue_dma source(%dma_start3A_260 : memref<16x512xf32, #tpu.memory_space<hbm>>) target(%dma_start3A_256 : memref<16x512xf32, #tpu.memory_space<vmem>>) target_semaphore(%run_scoped3A_244 : memref<!tpu.dma_semaphore, #tpu.memory_space<semaphore_mem>>)
        %dma_wait3A_261 = arith.constant 0 : i32
        %dma_wait3A_262 = arith.constant 0 : i32
        %dma_wait3A_263 = tpu.memref_slice %arg8[%run_scoped3A, %dma_wait3A_261, %dma_wait3A_262] : memref<2x64x512xf32, #tpu.memory_space<vmem>> -> memref<1x16x512xf32, #tpu.memory_space<vmem>>
        %dma_wait3A_264 = tpu.memref_squeeze %dma_wait3A_263 : memref<1x16x512xf32, #tpu.memory_space<vmem>> -> memref<16x512xf32, #tpu.memory_space<vmem>>
        %dma_wait3A_265 = arith.constant 9984 : i32
        %dma_wait3A_266 = arith.constant 0 : i32
        %dma_wait3A_267 = tpu.memref_slice %arg4[%add3A, %dma_wait3A_265, %dma_wait3A_266] : memref<3x10000x512xf32, #tpu.memory_space<hbm>> -> memref<1x16x512xf32, #tpu.memory_space<hbm>>
        %dma_wait3A_268 = tpu.memref_squeeze %dma_wait3A_267 : memref<1x16x512xf32, #tpu.memory_space<hbm>> -> memref<16x512xf32, #tpu.memory_space<hbm>>
        %dma_wait3A_269 = arith.constant 0 : i32
        %dma_wait3A_270 = arith.constant 0 : i32
        %dma_wait3A_271 = tpu.memref_slice %arg8[%run_scoped3A, %dma_wait3A_269, %dma_wait3A_270] : memref<2x64x512xf32, #tpu.memory_space<vmem>> -> memref<1x16x512xf32, #tpu.memory_space<vmem>>
        %dma_wait3A_272 = tpu.memref_squeeze %dma_wait3A_271 : memref<1x16x512xf32, #tpu.memory_space<vmem>> -> memref<16x512xf32, #tpu.memory_space<vmem>>
        %dma_wait3A_273 = arith.constant 9984 : i32
        %dma_wait3A_274 = arith.constant 0 : i32
        %dma_wait3A_275 = tpu.memref_slice %arg4[%add3A, %dma_wait3A_273, %dma_wait3A_274] : memref<3x10000x512xf32, #tpu.memory_space<hbm>> -> memref<1x16x512xf32, #tpu.memory_space<hbm>>
        %dma_wait3A_276 = tpu.memref_squeeze %dma_wait3A_275 : memref<1x16x512xf32, #tpu.memory_space<hbm>> -> memref<16x512xf32, #tpu.memory_space<hbm>>
        tpu.wait_dma2 semaphore(%run_scoped3A_244 : memref<!tpu.dma_semaphore, #tpu.memory_space<semaphore_mem>>) src(%dma_wait3A_276 : memref<16x512xf32, #tpu.memory_space<hbm>>) dst(%dma_wait3A_272 : memref<16x512xf32, #tpu.memory_space<vmem>>)
        tpu.yield
      }) : () -> ()
      %scan3A = arith.constant 0 : i32
      %scan3A_239 = arith.constant 0 : i32
      %scan3A_240 = arith.constant 64 : i32
      %scan3A_241 = arith.addi %scan3A_239, %scan3A_240 : i32
      %scan3A_242 = arith.constant 1 : i32
      scf.for %scan3A_244 = %scan3A_239 to %scan3A_241 step %scan3A_242  : i32 {
        %shift_right_arithmetic3A = arith.constant 3 : i32
        %shift_right_arithmetic3A_245 = arith.shrsi %scan3A_244, %shift_right_arithmetic3A : i32
        %and3A_246 = arith.constant 7 : i32
        %and3A_247 = arith.andi %scan3A_244, %and3A_246 : i32
        %mul3A_248 = arith.constant 16 : i32
        %mul3A_249 = arith.muli %and3A_247, %mul3A_248 : i32
        %get3A = arith.index_cast %shift_right_arithmetic3A_245 : i32 to index
        %get3A_250 = arith.index_cast %mul3A_249 : i32 to index
        %get3A_251 = tpu.vector_load %arg6[%get3A, %get3A_250] {strides = array<i32>} : memref<8x128xi32, #tpu.memory_space<vmem>>, vector<16xi32>,
        %shift_right_arithmetic3A_252 = arith.constant 3 : i32
        %shift_right_arithmetic3A_253 = arith.shrsi %scan3A_244, %shift_right_arithmetic3A_252 : i32
        %and3A_254 = arith.constant 7 : i32
        %and3A_255 = arith.andi %scan3A_244, %and3A_254 : i32
        %mul3A_256 = arith.constant 16 : i32
        %mul3A_257 = arith.muli %and3A_255, %mul3A_256 : i32
        %get3A_258 = arith.index_cast %shift_right_arithmetic3A_253 : i32 to index
        %get3A_259 = arith.index_cast %mul3A_257 : i32 to index
        %get3A_260 = tpu.vector_load %arg7[%get3A_258, %get3A_259] {strides = array<i32>} : memref<8x128xf32, #tpu.memory_space<vmem>>, vector<16xf32>,
        %sub3A_261 = arith.constant 1.000000e+00 : f32
        %sub3A_262 = vector.broadcast %sub3A_261 : f32 to vector<16xf32>
        %sub3A_263 = arith.subf %sub3A_262, %get3A_260 : vector<16xf32>
        %gather3A = arith.constant 0 : i32
        %gather3A_264 = arith.constant 0 : i32
        %gather3A_265 = arith.constant 0 : i32
        %gather3A_266 = tpu.memref_slice %arg8[%gather3A, %gather3A_264, %gather3A_265] : memref<2x64x512xf32, #tpu.memory_space<vmem>> -> memref<1x64x512xf32, #tpu.memory_space<vmem>>
        %gather3A_267 = tpu.memref_squeeze %gather3A_266 : memref<1x64x512xf32, #tpu.memory_space<vmem>> -> memref<64x512xf32, #tpu.memory_space<vmem>>
        %gather3A_268 = tpu.vector_load_idx %gather3A_267[%iota3A, %get3A_251] : memref<64x512xf32, #tpu.memory_space<vmem>>[vector<16xi32>, vector<16xi32>], vector<16xf32>,
        %add3A_269 = arith.constant 1 : i32
        %add3A_270 = vector.broadcast %add3A_269 : i32 to vector<16xi32>
        %add3A_271 = arith.addi %get3A_251, %add3A_270 : vector<16xi32>
        %gather3A_272 = arith.constant 0 : i32
        %gather3A_273 = arith.constant 0 : i32
        %gather3A_274 = arith.constant 0 : i32
        %gather3A_275 = tpu.memref_slice %arg8[%gather3A_272, %gather3A_273, %gather3A_274] : memref<2x64x512xf32, #tpu.memory_space<vmem>> -> memref<1x64x512xf32, #tpu.memory_space<vmem>>
        %gather3A_276 = tpu.memref_squeeze %gather3A_275 : memref<1x64x512xf32, #tpu.memory_space<vmem>> -> memref<64x512xf32, #tpu.memory_space<vmem>>
        %gather3A_277 = tpu.vector_load_idx %gather3A_276[%iota3A, %add3A_271] : memref<64x512xf32, #tpu.memory_space<vmem>>[vector<16xi32>, vector<16xi32>], vector<16xf32>,
        %mul3A_278 = arith.mulf %gather3A_268, %sub3A_263 : vector<16xf32>
        %mul3A_279 = arith.mulf %gather3A_277, %get3A_260 : vector<16xf32>
        %add3A_280 = arith.addf %mul3A_278, %mul3A_279 : vector<16xf32>
        %swap3A = arith.index_cast %scan3A_244 : i32 to index
        %swap3A_281 = arith.constant 0 : index
        %swap3A_282 = tpu.vector_load %arg10[%swap3A, %swap3A_281] {strides = array<i32>} : memref<64x16xf32, #tpu.memory_space<vmem>>, vector<16xf32>,
        tpu.vector_store %arg10[%swap3A, %swap3A_281], %add3A_280 {strides = array<i32>} : memref<64x16xf32, #tpu.memory_space<vmem>>, vector<16xf32>,
      }
      %scan3A_243 = arith.constant 64 : i32
      "tpu.region"() ({
        %run_scoped3A_244 = tpu.sem_alloc : memref<!tpu.dma_semaphore, #tpu.memory_space<semaphore_mem>>
        %dma_start3A_245 = arith.constant 0 : i32
        %dma_start3A_246 = arith.constant 9984 : i32
        %dma_start3A_247 = tpu.memref_slice %arg5[%add3A, %dma_start3A_245, %dma_start3A_246] : memref<3x64x10000xf32, #tpu.memory_space<hbm>> -> memref<1x64x16xf32, #tpu.memory_space<hbm>>
        %dma_start3A_248 = tpu.memref_squeeze %dma_start3A_247 : memref<1x64x16xf32, #tpu.memory_space<hbm>> -> memref<64x16xf32, #tpu.memory_space<hbm>>
        %dma_start3A_249 = arith.constant 0 : i32
        %dma_start3A_250 = arith.constant 9984 : i32
        %dma_start3A_251 = tpu.memref_slice %arg5[%add3A, %dma_start3A_249, %dma_start3A_250] : memref<3x64x10000xf32, #tpu.memory_space<hbm>> -> memref<1x64x16xf32, #tpu.memory_space<hbm>>
        %dma_start3A_252 = tpu.memref_squeeze %dma_start3A_251 : memref<1x64x16xf32, #tpu.memory_space<hbm>> -> memref<64x16xf32, #tpu.memory_space<hbm>>
        tpu.enqueue_dma source(%arg10 : memref<64x16xf32, #tpu.memory_space<vmem>>) target(%dma_start3A_252 : memref<64x16xf32, #tpu.memory_space<hbm>>) target_semaphore(%run_scoped3A_244 : memref<!tpu.dma_semaphore, #tpu.memory_space<semaphore_mem>>)
        %dma_wait3A_253 = arith.constant 0 : i32
        %dma_wait3A_254 = arith.constant 9984 : i32
        %dma_wait3A_255 = tpu.memref_slice %arg5[%add3A, %dma_wait3A_253, %dma_wait3A_254] : memref<3x64x10000xf32, #tpu.memory_space<hbm>> -> memref<1x64x16xf32, #tpu.memory_space<hbm>>
        %dma_wait3A_256 = tpu.memref_squeeze %dma_wait3A_255 : memref<1x64x16xf32, #tpu.memory_space<hbm>> -> memref<64x16xf32, #tpu.memory_space<hbm>>
        %dma_wait3A_257 = arith.constant 0 : i32
        %dma_wait3A_258 = arith.constant 9984 : i32
        %dma_wait3A_259 = tpu.memref_slice %arg5[%add3A, %dma_wait3A_257, %dma_wait3A_258] : memref<3x64x10000xf32, #tpu.memory_space<hbm>> -> memref<1x64x16xf32, #tpu.memory_space<hbm>>
        %dma_wait3A_260 = tpu.memref_squeeze %dma_wait3A_259 : memref<1x64x16xf32, #tpu.memory_space<hbm>> -> memref<64x16xf32, #tpu.memory_space<hbm>>
        tpu.wait_dma2 semaphore(%run_scoped3A_244 : memref<!tpu.dma_semaphore, #tpu.memory_space<semaphore_mem>>) src(%arg10 : memref<64x16xf32, #tpu.memory_space<vmem>>) dst(%dma_wait3A_260 : memref<64x16xf32, #tpu.memory_space<hbm>>)
        tpu.yield
      }) : () -> ()
    } else {
    }
    return
  }
}

</mosaic_0001>

<sc_bundles>
// kernel: kernel.3.cloned.1.call-start
scs
__scs_entry_jumppad:
0x0: {  	(pc) =	sbr.rel $0x88, $3  }
0x1: {  	(tag) =	ssettag $0x0;
	lr =	simm.s32 $0x1  }
0x2: {  	[smem:$0x3F9F] =	sst lr;
	_ =	strace $0xD0000000  }
0x3: {  	_ = 	snop  }
0x4: {  	_ = 	snop  }
0x5: {  	_ = 	snop  }
0x6: {  	_ = 	snop  }
0x7: {  	_ = 	snop  }
__scs_overlays_trampoline_lowered:
0x8: {  	[smem:$0x3FAE] =	sst s0  }
0x9: {  	[smem:$0x3FAF] =	sst s1  }
0xa: {  	[smem:$0x3FB0] =	sst s2  }
0xb: {  	[smem:$0x3FB1] =	sst s3  }
0xc: {  	[smem:$0x3FB2] =	sst s4  }
0xd: {  	[smem:$0x3FB3] =	sst s5  }
0xe: {  	[smem:$0x3FB4] =	sst s6  }
0xf: {  	[smem:$0x3FB5] =	sst s7  }
0x10: {  	[smem:$0x3FB6] =	sst s8  }
0x11: {  	[smem:$0x3FB7] =	sst s9;
	s0 =	simm.s32 @!p0 $0x0  }
0x12: {  	s1 =	sld [smem:$0x3F9D];
	s0 =	simm.s32 @p0 $0x1  }
0x13: {  	[smem:$0x3FB8] =	sst s0;
	s0 =	simm.s32 @!p1 $0x0  }
0x14: {  	s2 =	sld [smem:$0x3F9C];
	s0 =	simm.s32 @p1 $0x1  }
0x15: {  	[smem:$0x3FB9] =	sst s0;
	s0 =	simm.s32 @!p2 $0x0  }
0x16: {  	s3 =	sld [smem:$0x3FDB];
	s0 =	simm.s32 @p2 $0x1  }
0x17: {  	s4 =	simm.s32 $0x1BF5;
	[smem:$0x3FBB] =	sst s0  }
0x18: {  	s0 =	sld [smem:$0x3F9E];
	_ =	swait.ge [sflag:s4], $0x0  }
0x19: {  	s7 =	sld [smem:$0x3F9F]  }
0x1a: {  	s8 =	sadd.s32 $0xFFFFE003, lr  }
0x1b: {  	s9 =	sadd.s32 $0xFFFFFEF7, lr;
	s5 =	simm.s32 $0xFFFFFFFF;
	p2 =	slt.u32 s8, $0xFFFFF086  }
0x1c: {  	p1 =	slt.u32 s9, $0xF7A;
	s5 =	simm.s32 @!p2 $0x0  }
0x1d: {  	s5 =	simm.s32 @p1 $0x1;
	p0 =	seq.s32 s7, s2  }
0x1e: {  	s7 =	smul.u32 @!p0 $0xF7A, s2;
	p2 =	seq.s32 @!p0 s5, $0x0  }
0x1f: {  	s9 =	smul.u32 $0xF7A, s1;
	s8 =	simm.s32 @!p0 $0x1BF5;
	p2 =	por !p2, p0  }
0x20: {  	[sflag:s8] =	ssyncset.s32 @!p0 $0xFFFFF086;
	s6 =	sadd.s32 @!p0 s3, s7;
	s7 =	simm.s32 @!p0 $0x108  }
0x21: {  	s3 =	sadd.s32 s3, s9;
	s6 =	sadd.s32 @!p0 $0x88, s6;
	s7 =	simm.s32 @p2 $0x1082  }
0x22: {  	[simem:s7], [sflag:s8] =	dma.local @!p0 [hbm:s6], $0xF7A  }
0x23: {  	s9 =	sor.u32 $0xD0000000, s2;
	s6 =	simm.s32 $0x108;
	_ =	swait.ge @!p0 [sflag:s8], $0x0  }
0x24: {  	s3 =	sadd.s32 $0x88, s3;
	s6 =	simm.s32 @!p1 $0x1082;
	[sflag:s4] =	ssyncset.s32 $0xFFFFF086  }
0x25: {  	[simem:s6], [sflag:s4] =	dma.local [hbm:s3], $0xF7A  }
0x26: {  	[smem:$0x3F9F] =	sst s1;
	(tag) =	ssettag s2;
	_ =	strace s9  }
0x27: {  	s1 =	sld [smem:$0x3FAF]  }
0x28: {  	s2 =	sld [smem:$0x3FB0]  }
0x29: {  	s4 =	sld [smem:$0x3FB2]  }
0x2a: {  	p0 =	seq.s32 s5, $0x0;
	s5 =	sld [smem:$0x3FB3]  }
0x2b: {  	s6 =	sld [smem:$0x3FB4]  }
0x2c: {  	s7 =	sld [smem:$0x3FB5]  }
0x2d: {  	s3 =	simm.s32 $0x108;
	s8 =	sld [smem:$0x3FB6]  }
0x2e: {  	s3 =	simm.s32 @!p0 $0x1082;
	s9 =	sld [smem:$0x3FB7]  }
0x2f: {  	lr =	sadd.s32 s0, s3;
	s0 =	sld [smem:$0x3FAE]  }
0x30: {  	s3 =	sld [smem:$0x3FB1]  }
0x31: {  	[smem:$0x3FBA] =	sst s10  }
0x32: {  	s10 =	sld [smem:$0x3FB8];
	_ =	sdelay $0x3  }
0x33: {  	p0 =	seq.s32 s10, $0x1;
	s10 =	sld [smem:$0x3FBA];
	_ =	sdelay $0x3  }
0x34: {  	[smem:$0x3FBA] =	sst s10  }
0x35: {  	s10 =	sld [smem:$0x3FB9];
	_ =	sdelay $0x3  }
0x36: {  	p1 =	seq.s32 s10, $0x1;
	s10 =	sld [smem:$0x3FBA];
	_ =	sdelay $0x3  }
0x37: {  	[smem:$0x3FBA] =	sst s10  }
0x38: {  	s10 =	sld [smem:$0x3FBB]  }
0x39: {  	_ = 	snop;
	(pc) =	sbr.ind lr, $3  }
0x3a: {  	_ = 	snop  }
0x3b: {  	_ = 	snop  }
0x3c: {  	p2 =	seq.s32 s10, $0x1;
	s10 =	sld [smem:$0x3FBA]  }
0x3d: {  	_ =	shalt  }
0x3e: {  	_ =	shalt  }
0x3f: {  	_ =	shalt  }
0x40: {  	_ =	shalt  }
0x41: {  	_ =	shalt  }
0x42: {  	_ =	shalt  }
0x43: {  	_ =	shalt  }
0x44: {  	_ =	shalt  }
0x45: {  	_ =	shalt  }
0x46: {  	_ =	shalt  }
0x47: {  	_ =	shalt  }
0x48: {  	_ =	shalt  }
0x49: {  	_ =	shalt  }
0x4a: {  	_ =	shalt  }
0x4b: {  	_ =	shalt  }
0x4c: {  	_ =	shalt  }
0x4d: {  	_ =	shalt  }
0x4e: {  	_ =	shalt  }
0x4f: {  	_ =	shalt  }
0x50: {  	_ =	shalt  }
0x51: {  	_ =	shalt  }
0x52: {  	_ =	shalt  }
0x53: {  	_ =	shalt  }
0x54: {  	_ =	shalt  }
0x55: {  	_ =	shalt  }
0x56: {  	_ =	shalt  }
0x57: {  	_ =	shalt  }
0x58: {  	_ =	shalt  }
0x59: {  	_ =	shalt  }
0x5a: {  	_ =	shalt  }
0x5b: {  	_ =	shalt  }
0x5c: {  	_ =	shalt  }
0x5d: {  	_ =	shalt  }
0x5e: {  	_ =	shalt  }
0x5f: {  	_ =	shalt  }
0x60: {  	_ =	shalt  }
0x61: {  	_ =	shalt  }
0x62: {  	_ =	shalt  }
0x63: {  	_ =	shalt  }
0x64: {  	_ =	shalt  }
0x65: {  	_ =	shalt  }
0x66: {  	_ =	shalt  }
0x67: {  	_ =	shalt  }
0x68: {  	_ =	shalt  }
0x69: {  	_ =	shalt  }
0x6a: {  	_ =	shalt  }
0x6b: {  	_ =	shalt  }
0x6c: {  	_ =	shalt  }
0x6d: {  	_ =	shalt  }
0x6e: {  	_ =	shalt  }
0x6f: {  	_ =	shalt  }
0x70: {  	_ =	shalt  }
0x71: {  	_ =	shalt  }
0x72: {  	_ =	shalt  }
0x73: {  	_ =	shalt  }
0x74: {  	_ =	shalt  }
0x75: {  	_ =	shalt  }
0x76: {  	_ =	shalt  }
0x77: {  	_ =	shalt  }
0x78: {  	_ =	shalt  }
0x79: {  	_ =	shalt  }
0x7a: {  	_ =	shalt  }
0x7b: {  	_ =	shalt  }
0x7c: {  	_ =	shalt  }
0x7d: {  	_ =	shalt  }
0x7e: {  	_ =	shalt  }
0x7f: {  	_ =	shalt  }
0x80: {  	_ =	shalt  }
0x81: {  	_ =	shalt  }
0x82: {  	_ =	shalt  }
0x83: {  	_ =	shalt  }
0x84: {  	_ =	shalt  }
0x85: {  	_ =	shalt  }
0x86: {  	_ =	shalt  }
0x87: {  	_ =	shalt  }
.Lfunc_end0:
.L_simem_size_0:
called_computation_lowered:
.L_overlay_start_0:
0x88: {  	s2 =	sld [smem:$0x3FD9]  }
0x89: {  	s3 =	sld [smem:$0x3FFE];
	_ =	sdelay $0x1  }
0x8a: {  	s1 =	srdreg.scid  }
0x8b: {  	s0 =	sand.u32 $0x1, s1  }
0x8c: {  	s17 =	sshll.u32 s0, $0xA;
	s2 =	sadd.s32 s3, s2  }
0x8d: {  	s2 =	sadd.s32 s2, s17  }
0x8e: {  	[smem:$0x3FC6] =	sst s2  }
0x8f: {  	_ = 	snop  }
0x90: {  	s2 =	sld [smem:$0x3FC8]  }
0x91: {  	s18 =	sld [smem:$0x3FD0];
	(tm) =	ssettm $0x1  }
0x92: {  	s4 =	sld [smem:$0x3FFB];
	_ =	sdelay $0x3  }
0x93: {  	_ =	strace s4  }
0x94: {  	s4 =	sld [smem:$0x3FFC];
	_ =	sdelay $0x3  }
0x95: {  	_ =	strace s4  }
0x96: {  	s4 =	sld [smem:$0x3FFD];
	_ =	sdelay $0x3  }
0x97: {  	_ =	strace s4  }
0x98: {  	_ =	strace $0x8FFFFFFF  }
0x99: {  	s19 =	sld [smem:$0x3FDB];
	_ =	sdelay $0x1  }
0x9a: {  	s5 =	simm.s32 $_scs_section_size  }
0x9b: {  	s6 =	simm.s32 $_size__tile_overlayer_lowered;
	s7 =	simm.s32 $_tile_overlayer_lowered  }
0x9c: {  	s22 =	simm.s32 $0x1BFF;
	s21 =	sshll.u32 s7, $0x1;
	s4 =	sadd.s32 s5, s19  }
0x9d: {  	s8 =	simm.s32 $0x0;
	s20 =	sshll.u32 s6, $0x1;
	s6 =	sadd.s32 s21, s4  }
0x9e: {  	[timem:s8], [sflag:s22] =	dma.local [hbm:s6], s20  }
0x9f: {  	_ =	swait.ge [sflag:s22], s20  }
0xa0: {  	s5 =	ssub.s32 $0x0, s20;
	[sflag:s22] =	ssyncset.done $0x0  }
0xa1: {  	[sflag:s22] =	ssyncadd.s32 s5;
	_ =	sdelay $0x1  }
0xa2: {  	s23 =	simm.s32 $0x1B8B  }
0xa3: {  	_ =	swait.ge [sflag:s23], $0x1  }
0xa4: {  	[sflag:s23] =	ssyncset.done $0x0  }
0xa5: {  	s25 =	simm.s32 $0x1B8E;
	s24 =	sld [smem:$0x3FFE];
	[sflag:s23] =	ssyncadd.s32 $0xFFFFFFFF  }
0xa6: {  	s26 =	simm.s32 $execute0_lowered;
	[smem:$0x3FD2] =	sst s25  }
0xa7: {  	s6 =	sshll.u32 s26, $0x1;
	_ =	strace $0x80000046;
	[dreg:$0x1] =	wrdreg $0xFFFFFFFF  }
0xa8: {  	s28 =	simm.s32 $_size_execute0_lowered;
	s4 =	sadd.s32 s4, s6;
	[dreg:$0x0] =	wrdreg $0x0  }
0xa9: {  	s6 =	sshll.u32 s28, $0x1;
	[dreg:$0x2] =	wrdreg s4  }
0xaa: {  	[dreg:$0x3] =	wrdreg s6  }
0xab: {  	[dreg:$0x4] =	wrdreg $0xC0  }
0xac: {  	_ =	task [dreg:s8], $0x5FFFF  }
0xad: {  	[dreg:$0x1] =	wrdreg $0xFFFFFFFF  }
0xae: {  	[dreg:$0x0] =	wrdreg $0x60  }
0xaf: {  	[dreg:$0x2] =	wrdreg s24  }
0xb0: {  	[dreg:$0x3] =	wrdreg s2  }
0xb1: {  	[dreg:$0x4] =	wrdreg s18  }
0xb2: {  	[dreg:$0x5] =	wrdreg $0x9  }
0xb3: {  	_ =	task.clear_ibuf [dreg:s8], $0x6FFFF;
	_ =	strace $0x90000046  }
0xb4: {  	s29 =	simm.s32 $0x9;
	_ =	strace $0x80000048  }
0xb5: {  	_ =	swait.ge [sflag:s29], $0x1  }
0xb6: {  	[sflag:s29] =	ssyncadd.s32 $0xFFFFFFFF  }
0xb7: {  	_ =	strace $0x90000048  }
0xb8: {  	_ =	sfence  }
0xb9: {  	s30 =	sld [smem:$0x0];
	_ =	sdelay $0x2  }
0xba: {  	s31 =	sshll.u32 s1, $0xD;
	s1 =	sshrl.u32 s1, $0x2  }
0xbb: {  	s3 =	sand.u32 $0x4000, s31;
	s1 =	sadd.s32 s1, s30  }
0xbc: {  	s0 =	sor.u32 s3, s0;
	s1 =	sshll.u32 s1, $0x11  }
0xbd: {  	s0 =	sor.u32 s1, s0  }
0xbe: {  	s0 =	sadd.s32 $0x8F2B, s0  }
0xbf: {  	[sflag:s0] =	ssyncadd.remote.s32 $0x1  }
0xc0: {  	_ =	sfence.sel $0xFFFF  }
0xc1: {  	[dreg:$0x0] =	wrdreg $0xFFFFFFFF;
	(pc) =	sbr.abs _section_cstart, $3  }
0xc2: {  	[dreg:$0x1] =	wrdreg $0xFFFFFFFF  }
0xc3: {  	_ =	task.clear_ibuf [dreg:s8], $0x2FFFF;
	_ =	strace $0x9FFFFFFF  }
0xc4: {  	(tm) =	ssettm $0x7FFFFFFF  }
0xc5: {  	_ =	shalt  }
tec
execute0_lowered:
.L_overlay_start_1:
0x0: {  	(tag) =	ssettag $0x1  }
0x1: {  	v0 =	vimm.s32 $0x1380  }
0x2: {  	vm14 =	vcmask $0x300;
	vm13 =	vcmask $0x704;
	vm12 =	vcmask $0xB08  }
0x3: {  	vm11 =	vcmask $0xF0C;
	vm10 =	vcmask $0x1310;
	vm9 =	vcmask $0x1714  }
0x4: {  	vm8 =	vcmask $0x1B18;
	vm7 =	vcmask $0x1F1C;
	vm6 =	vcmask $0x2320  }
0x5: {  	vm5 =	vcmask $0x2724;
	vm4 =	vcmask $0x2B28;
	vm3 =	vcmask $0x2F2C  }
0x6: {  	vm2 =	vcmask $0x3330;
	vm0 =	vcmask $0x3734;
	vm1 =	vcmask $0x3B38  }
0x7: {  	v1 =	vimm.s32 $0x3380;
	v2 =	vimm.s32 $0x5380;
	v3 =	vimm.s32 $0x7380  }
0x8: {  	s0 =	srdreg.scid;
	v0 =	vsel vm14, $0x0, v0;
	v1 =	vsel vm14, $0x2000, v1;
	v2 =	vsel vm14, $0x4000, v2  }
0x9: {  	s10 =	stileid.u32;
	s6 =	rddreg [dreg:$0x0];
	v3 =	vsel vm14, $0x6000, v3;
	v0 =	vsel vm13, $0x80, v0;
	v1 =	vsel vm13, $0x2080, v1  }
0xa: {  	s3 =	rddreg [dreg:$0x2];
	s17 =	simm.s32 $0x5;
	s18 =	simm.s32 $0x400;
	v2 =	vsel vm13, $0x4080, v2;
	v3 =	vsel vm13, $0x6080, v3;
	v0 =	vsel vm12, $0x100, v0  }
0xb: {  	s19 =	simm.s32 $0x800;
	s7 =	sand.u32 $0x1, s0;
	s28 =	sshll.u32 s10, $0x1;
	v1 =	vsel vm12, $0x2100, v1;
	v2 =	vsel vm12, $0x4100, v2;
	v3 =	vsel vm12, $0x6100, v3  }
0xc: {  	s20 =	simm.s32 $0x1;
	s23 =	simm.s32 $0x0;
	s0 =	sor.u32 s7, s28;
	v0 =	vsel vm11, $0x180, v0;
	v1 =	vsel vm11, $0x2180, v1;
	v2 =	vsel vm11, $0x4180, v2  }
0xd: {  	p0 =	slt.u32 s10, $0x5;
	s10 =	simm.s32 $0x8;
	s1 =	smul.u32 $0x7, s0;
	v3 =	vsel vm11, $0x6180, v3;
	v0 =	vsel vm10, $0x200, v0;
	v1 =	vsel vm10, $0x2200, v1  }
0xe: {  	s7 =	ssub.s32 $0x2, s7;
	s10 =	simm.s32 @!p0 $0x7;
	s13 =	smul.u32 $0x4E2000, s0;
	v2 =	vsel vm10, $0x4200, v2;
	v3 =	vsel vm10, $0x6200, v3;
	v0 =	vsel vm9, $0x280, v0  }
0xf: {  	s2 =	smin.u32 s0, $0xA;
	s11 =	sshrl.u32 s7, $0x1;
	s15 =	smul.u32 $0x9E000, s0;
	v1 =	vsel vm9, $0x2280, v1;
	v2 =	vsel vm9, $0x4280, v2;
	v3 =	vsel vm9, $0x6280, v3  }
0x10: {  	p0 =	sgt.u32 s0, $0x2;
	s14 =	ssub.s32 s7, s11;
	s2 =	sadd.s32 s2, s1;
	v0 =	vsel vm8, $0x300, v0;
	v1 =	vsel vm8, $0x2300, v1;
	v2 =	vsel vm8, $0x4300, v2  }
0x11: {  	s1 =	rddreg [dreg:$0x1];
	s13 =	sshrl.u32 s13, $0x3;
	s4 =	sand.u32 $0xFE, s2;
	v3 =	vsel vm8, $0x6300, v3;
	v0 =	vsel vm7, $0x380, v0;
	v1 =	vsel vm7, $0x2380, v1  }
0x12: {  	s15 =	sshrl.u32 s15, $0x3;
	s12 =	sadd.s32 s2, s10;
	s5 =	sshrl.u32 s4, $0x1;
	v2 =	vsel vm7, $0x4380, v2;
	v3 =	vsel vm7, $0x6380, v3;
	v0 =	vsel vm6, $0x1000, v0  }
0x13: {  	s11 =	sadd.s32 $0x2, s2;
	s16 =	sadd.s32 s1, s13;
	s5 =	smul.u32 $0xD3, s5;
	v1 =	vsel vm6, $0x3000, v1;
	v2 =	vsel vm6, $0x5000, v2;
	v3 =	vsel vm6, $0x7000, v3  }
0x14: {  	s15 =	sadd.s32 s3, s15;
	s4 =	simm.s32 $0x0;
	s7 =	sshll.u32 s12, $0x1;
	v0 =	vsel vm5, $0x1080, v0;
	v1 =	vsel vm5, $0x3080, v1;
	v2 =	vsel vm5, $0x5080, v2  }
0x15: {  	s29 =	sand.u32 $0x1, s12;
	s30 =	sadd.s32 $0x9C000, s16;
	s8 =	sshrl.u32 s5, $0xD;
	v3 =	vsel vm5, $0x7080, v3;
	v0 =	vsel vm4, $0x1100, v0;
	v1 =	vsel vm4, $0x3100, v1  }
0x16: {  	s31 =	sadd.s32 $0x2700, s15;
	s16 =	smax.u32 s14, $0x1;
	s9 =	smul.u32 $0xFFB2, s8;
	v2 =	vsel vm4, $0x5100, v2;
	v3 =	vsel vm4, $0x7100, v3;
	v0 =	vsel vm3, $0x1180, v0  }
0x17: {  	[smem:$0x7FF] =	sst s4;
	s10 =	sadd.s32 $0xFFFFFFFF, s7;
	s8 =	smul.u32 $0x4E2000, s8;
	v1 =	vsel vm3, $0x3180, v1;
	v2 =	vsel vm3, $0x5180, v2;
	v0 =	vsel vm2, $0x1200, v0  }
.Ltmp0:
0x18: {  	s12 =	sadd.s32 $0x3, s29;
	v3 =	vsel vm3, $0x7180, v3;
	s9 =	sadd.s32 s2, s9;
	v1 =	vsel vm2, $0x3200, v1;
	v0 =	vsel vm0, $0x1280, v0;
	(pc) =	sbr.rel .LBB2_1-.Ltmp0, $4  }
0x19: {  	_ =	strace $0x80000047;
	[dreg:$0x4] =	wrdreg s30;
	v2 =	vsel vm2, $0x5200, v2;
	s9 =	sshll.u32 s9, $0x10;
	v1 =	vsel vm0, $0x3280, v1;
	v4 =	vsel vm1, $0x1300, v0  }
0x1a: {  	[dreg:$0x5] =	wrdreg s31;
	s5 =	sadd.s32 $0x600, s6;
	v3 =	vsel vm2, $0x7200, v3;
	v2 =	vsel vm0, $0x5280, v2;
	s8 =	sadd.s32 s8, s9;
	v5 =	vsel vm1, $0x3300, v1;
	[tilespmem:$0x1FFD0] =	vst v4  }
0x1b: {  	v3 =	vsel vm0, $0x7280, v3;
	s9 =	sshll.u32 s2, $0x1;
	s2 =	sxor.u32 $0x1, s29;
	v6 =	vsel vm1, $0x5300, v2;
	s8 =	sshrl.u32 s8, $0x3;
	[tilespmem:$0x1FFE0] =	vst v5  }
0x1c: {  	s6 =	sadd.s32 $0x800, s6;
	v3 =	vsel vm1, $0x7300, v3;
	s13 =	sadd.s32 $0x3, s2;
	[tilespmem:$0x1FFF0] =	vst v6;
	s8 =	sadd.s32 s1, s8  }
.LBB2_9:
0x1d: {  	s23 =	sadd.s32 $0x1, s23  }
0x1e: {  	p1 =	sne.s32 s23, s16  }
.Ltmp1:
0x1f: {  	_ = 	snop;
	(pc) =	sbr.rel @!p1 .LBB2_10-.Ltmp1, $1  }
0x20: {  	_ =	sdelay $0x3  }
.LBB2_1:
0x21: {  	[tilespmem:s4], [sflag:$0x5] =	stream.linear.gather [hbm4b:s5+s4], $0x400, $0x38;
	[tilespmem:$0x16800] =	vst v63  }
0x22: {  	_ =	swait.ge [sflag:s17], $0x400  }
0x23: {  	[sflag:s17] =	ssyncset.done $0x0  }
0x24: {  	[sflag:s17] =	ssyncadd.s32 $0xFFFFFC00  }
0x25: {  	[tilespmem:s18], [sflag:$0x5] =	stream.linear.gather [hbm4b:s6+s4], $0x400, $0x38;
	[tilespmem:$0x16800] =	vst v63  }
0x26: {  	_ =	swait.ge [sflag:s17], $0x400  }
0x27: {  	[sflag:s17] =	ssyncset.done $0x0  }
0x28: {  	p1 =	por $0x0, $0x0;
	s24 =	smov.u32 s9;
	[sflag:s17] =	ssyncadd.s32 $0xFFFFFC00  }
0x29: {  	[tilespmem:s19], [sflag:$0x1] =	stream.linear.gather [hbm4b:s8+s4], $0x8000, $0x38;
	[tilespmem:$0x16800] =	vst v63  }
.LBB2_2:
0x2a: {  	s31 =	smov.u32 s24;
	s24 =	sadd.s32 $0x1, s24  }
0x2b: {  	s0 =	smov.u32 s10;
	p2 =	slt.s32 s24, s10  }
0x2c: {  	s0 =	smov.u32 @p2 s24  }
0x2d: {  	s2 =	sshra.s32 s0, $0x1  }
0x2e: {  	s15 =	sshra.s32 s0, $0x1F;
	s14 =	smulhi.u32 $0xD20D20D3, s2  }
0x2f: {  	s21 =	smul.u32 $0xD20D20D3, s15  }
0x30: {  	s14 =	ssub.s32 s14, s2  }
0x31: {  	s14 =	sadd.s32 s21, s14  }
0x32: {  	s14 =	sadd.s32 s2, s14  }
0x33: {  	s22 =	sshrl.u32 s14, $0x1F;
	s14 =	sshra.s32 s14, $0x6  }
0x34: {  	p2 =	sgt.s32 s2, $0x0;
	s21 =	simm.s32 $0x1;
	s14 =	sadd.s32 s22, s14  }
0x35: {  	s21 =	simm.s32 @!p2 $0x0;
	s22 =	smul.u32 $0xFFFFFFB2, s14  }
0x36: {  	s25 =	ssub.s32 $0x0, s2;
	s15 =	sadd.s32 s21, s15  }
0x37: {  	p6 =	sne.s32 s15, $0x1;
	p3 =	sne.s32 s22, s25  }
0x38: {  	p2 =	por !p3, !p6  }
0x39: {  	s15 =	simm.s32 $0x1;
	p2 =	por !p2, !p2  }
0x3a: {  	s15 =	simm.s32 @!p2 $0x0  }
0x3b: {  	s14 =	ssub.s32 s14, s15  }
0x3c: {  	s15 =	smul.u32 $0xFFB2, s14  }
0x3d: {  	s0 =	sshll.u32 s0, $0xF;
	s14 =	smul.u32 $0x4E2000, s14  }
0x3e: {  	s0 =	sand.u32 $0x8000, s0;
	s2 =	sadd.s32 s2, s15  }
0x3f: {  	s25 =	sand.u32 $0x1, s31;
	s0 =	sadd.s32 s0, s14;
	s2 =	sshll.u32 s2, $0x10  }
0x40: {  	s26 =	sxor.u32 $0x1, s25;
	s0 =	sadd.s32 s2, s0  }
0x41: {  	s15 =	sshll.u32 s26, $0xF;
	s0 =	sshrl.u32 s0, $0x3  }
0x42: {  	s14 =	sor.u32 $0x800, s15;
	s2 =	sadd.s32 $0x1, s26;
	s0 =	sadd.s32 s1, s0  }
0x43: {  	[tilespmem:s14], [sflag:s2] =	stream.linear.gather [hbm4b:s0+s4], $0x8000, $0x38;
	[tilespmem:$0x16800] =	vst v63  }
0x44: {  	s21 =	sadd.s32 $0x1, s25;
	p2 =	seq.s32 s25, $0x1;
	s2 =	sshrl.u32 s31, $0x1  }
0x45: {  	_ =	swait.ge [sflag:s21], $0x8000;
	p3 =	slt.u32 @!p2 s2, s11  }
0x46: {  	s26 =	sand.u32 $0x1, s2;
	[sflag:s21] =	ssyncset.done $0x0;
	p2 =	por p3, p2  }
0x47: {  	[sflag:s21] =	ssyncadd.s32 $0xFFFF8000;
	s0 =	sadd.s32 @!p2 $0x3, s26  }
0x48: {  	_ =	swait.ge @!p2 [sflag:s0], $0x2000  }
0x49: {  	[sflag:s0] =	ssyncset.done @!p2 $0x0  }
0x4a: {  	s22 =	simm.s32 $0x40;
	[sflag:s0] =	ssyncadd.s32 @!p2 $0xFFFFE000  }
0x4b: {  	v4 =	vld [tilespmem:s22+$0x30];
	_ =	sdelay $0x2  }
0x4c: {  	v0 =	vld [tilespmem:$0x1FFD0]  }
0x4d: {  	v1 =	vld [tilespmem:$0x1FFE0]  }
0x4e: {  	v9 =	vld [tilespmem:s22+$0xFFFFFFD0];
	v5 =	vadd.s32 $0x1, v4;
	v6 =	vshll.u32 v4, $0x3  }
0x4f: {  	v17 =	vld [tilespmem:s22+$0xFFFFFFE0];
	v4 =	vand.u32 $0x7F, v4;
	v6 =	vand.u32 $0xFFFFFC00, v6;
	v7 =	vshll.u32 v5, $0x3  }
0x50: {  	v19 =	vld [tilespmem:s22+$0xFFFFFFF0];
	v18 =	vor.u32 v4, v6;
	v4 =	vand.u32 $0x7F, v5;
	v5 =	vand.u32 $0xFFFFFC00, v7  }
0x51: {  	v24 =	vld [tilespmem:s22+$0x0];
	v6 =	vadd.s32 v0, v18;
	v20 =	vor.u32 v4, v5  }
0x52: {  	v25 =	vld [tilespmem:s22+$0x10];
	v4 =	vadd.s32 v0, v20  }
0x53: {  	v30 =	vld [tilespmem:s22+$0x20]  }
0x54: {  	s21 =	simm.s32 $0x440;
	s0 =	sshll.u32 s25, $0xF;
	v14 =	vld [tilespmem:s22+$0xFFFFFFC0]  }
0x55: {  	s28 =	sor.u32 $0x800, s0;
	v5 =	vld [tilespmem:s21+$0x30]  }
0x56: {  	v7 =	vld.idx.msk [tilespmem:v6+s28+$0x0], $0xffff  }
0x57: {  	v4 =	vld.idx.msk [tilespmem:v4+s28+$0x0], $0xffff  }
0x58: {  	v8 =	vadd.s32 $0x1, v9;
	v10 =	vadd.s32 $0x1, v17;
	v11 =	vadd.s32 $0x1, v19  }
0x59: {  	v21 =	vadd.s32 $0x1, v24;
	v23 =	vadd.s32 $0x1, v25;
	v26 =	vadd.s32 $0x1, v30  }
0x5a: {  	s14 =	simm.s32 $0x1;
	v22 =	vadd.s32 $0x1, v14;
	v33 =	vshll.u32 v9, $0x3;
	v6 =	vsub.f32 $1.000000000e+00, v5  }
0x5b: {  	s14 =	simm.s32 @!p1 $0x0;
	v34 =	vshll.u32 v17, $0x3;
	v35 =	vshll.u32 v19, $0x3;
	v36 =	vshll.u32 v25, $0x3  }
0x5c: {  	s14 =	sshll.u32 s14, $0x8;
	s22 =	sshll.u32 s26, $0xF;
	v16 =	vadd.s32 v1, v18;
	v7 =	vmul.f32 v6, v7;
	v4 =	vmul.f32 v4, v5  }
0x5d: {  	s14 =	sor.u32 s14, s22;
	v9 =	vand.u32 $0x7F, v9;
	v13 =	vshll.u32 v10, $0x3;
	v27 =	vadd.s32 v1, v20  }
0x5e: {  	s14 =	sshrl.u32 s14, $0x2;
	v42 =	vand.u32 $0x7F, v10;
	v40 =	vand.u32 $0xFFFFFC00, v13;
	v4 =	vadd.f32 v4, v7  }
0x5f: {  	s29 =	sor.u32 $0x10A00, s14;
	v28 =	vshll.u32 v21, $0x3;
	v61 =	vand.u32 $0x7F, v21;
	v21 =	vor.u32 v42, v40  }
0x60: {  	v17 =	vand.u32 $0x7F, v17;
	v19 =	vand.u32 $0x7F, v19;
	v42 =	vadd.s32 v0, v21;
	[tilespmem:s29+$0x180] =	vst v4  }
0x61: {  	v25 =	vand.u32 $0x7F, v25;
	v12 =	vshll.u32 v8, $0x3;
	v15 =	vshll.u32 v11, $0x3;
	v38 =	vld.idx.msk [tilespmem:v16+s28+$0x0], $0xffff  }
0x62: {  	v29 =	vshll.u32 v23, $0x3;
	v31 =	vshll.u32 v22, $0x3;
	v39 =	vand.u32 $0xFFFFFC00, v12;
	v12 =	vld.idx.msk [tilespmem:v27+s28+$0x0], $0xffff  }
0x63: {  	v32 =	vshll.u32 v26, $0x3;
	v43 =	vand.u32 $0x7F, v11;
	v36 =	vand.u32 $0xFFFFFC00, v36;
	v2 =	vld [tilespmem:$0x1FFF0]  }
0x64: {  	v23 =	vand.u32 $0x7F, v23;
	v31 =	vand.u32 $0xFFFFFC00, v31;
	v28 =	vand.u32 $0xFFFFFC00, v28  }
0x65: {  	v29 =	vand.u32 $0xFFFFFC00, v29;
	v52 =	vld.idx.msk [tilespmem:v42+s28+$0x0], $0xffff;
	v42 =	vor.u32 v25, v36;
	v7 =	vshll.u32 v14, $0x3  }
0x66: {  	v54 =	vld [tilespmem:s21+$0xFFFFFFC0];
	v36 =	vadd.s32 v0, v42;
	v41 =	vand.u32 $0xFFFFFC00, v7;
	v7 =	vand.u32 $0x7F, v22  }
0x67: {  	v56 =	vld [tilespmem:s21+$0xFFFFFFD0];
	v22 =	vand.u32 $0x7F, v8;
	v4 =	vshll.u32 v24, $0x3;
	v8 =	vor.u32 v7, v31  }
0x68: {  	v53 =	vld [tilespmem:s21+$0xFFFFFFE0];
	v10 =	vmul.f32 v38, v6;
	v59 =	vmul.f32 v12, v5;
	v44 =	vadd.s32 v2, v18  }
0x69: {  	v11 =	vld [tilespmem:s21+$0x10];
	v45 =	vand.u32 $0xFFFFFC00, v4;
	v16 =	vor.u32 v61, v28;
	v31 =	vadd.s32 v2, v20  }
0x6a: {  	v13 =	vld [tilespmem:s21+$0xFFFFFFF0];
	v28 =	vor.u32 v23, v29;
	v29 =	vadd.s32 v0, v16;
	v4 =	vadd.f32 v59, v10  }
0x6b: {  	v33 =	vand.u32 $0xFFFFFC00, v33;
	v36 =	vld.idx.msk [tilespmem:v36+s28+$0x0], $0xffff;
	v7 =	vor.u32 v22, v39;
	v60 =	vadd.s32 v0, v8  }
0x6c: {  	v34 =	vand.u32 $0xFFFFFC00, v34;
	v14 =	vand.u32 $0x7F, v14;
	v62 =	vadd.s32 v0, v7;
	v12 =	vld [tilespmem:s21+$0x0];
	[tilespmem:s29+$0x190] =	vst v4  }
0x6d: {  	v27 =	vand.u32 $0xFFFFFC00, v15;
	v23 =	vor.u32 v14, v41;
	v49 =	vadd.s32 v0, v28;
	v48 =	vld.idx.msk [tilespmem:v44+s28+$0x0], $0xffff  }
0x6e: {  	v35 =	vand.u32 $0xFFFFFC00, v35;
	v22 =	vor.u32 v43, v27;
	v51 =	vadd.s32 v0, v23;
	v31 =	vld.idx.msk [tilespmem:v31+s28+$0x0], $0xffff  }
0x6f: {  	v26 =	vand.u32 $0x7F, v26;
	v63 =	vadd.s32 v0, v22;
	v46 =	vld.idx.msk [tilespmem:v29+s28+$0x0], $0xffff;
	v29 =	vor.u32 v19, v35  }
0x70: {  	v32 =	vand.u32 $0xFFFFFC00, v32;
	v27 =	vor.u32 v9, v33;
	v50 =	vld.idx.msk [tilespmem:v60+s28+$0x0], $0xffff;
	v60 =	vadd.s32 v0, v29  }
0x71: {  	v40 =	vld.idx.msk [tilespmem:v62+s28+$0x0], $0xffff;
	v4 =	vor.u32 v26, v32;
	v26 =	vor.u32 v17, v34;
	v17 =	vadd.s32 v0, v27  }
0x72: {  	v18 =	vadd.s32 v3, v18;
	v47 =	vld.idx.msk [tilespmem:v49+s28+$0x0], $0xffff;
	v58 =	vadd.s32 v0, v26  }
0x73: {  	v19 =	vadd.s32 v3, v20;
	v20 =	vld.idx.msk [tilespmem:v51+s28+$0x0], $0xffff;
	v59 =	vmul.f32 v48, v6;
	v31 =	vmul.f32 v31, v5  }
0x74: {  	v37 =	vshll.u32 v30, $0x3;
	v30 =	vand.u32 $0x7F, v30;
	v24 =	vand.u32 $0x7F, v24;
	v55 =	vld.idx.msk [tilespmem:v63+s28+$0x0], $0xffff  }
0x75: {  	v37 =	vand.u32 $0xFFFFFC00, v37;
	v24 =	vor.u32 v24, v45;
	v32 =	vld.idx.msk [tilespmem:v60+s28+$0x0], $0xffff;
	v31 =	vadd.f32 v31, v59  }
0x76: {  	v39 =	vor.u32 v30, v37;
	v30 =	vsub.f32 $1.000000000e+00, v53;
	v61 =	vadd.s32 v0, v24;
	v17 =	vld.idx.msk [tilespmem:v17+s28+$0x0], $0xffff  }
0x77: {  	v41 =	vsub.f32 $1.000000000e+00, v56;
	v43 =	vsub.f32 $1.000000000e+00, v54;
	v9 =	vadd.s32 v0, v4;
	v62 =	vld.idx.msk [tilespmem:v58+s28+$0x0], $0xffff;
	[tilespmem:s29+$0x1A0] =	vst v31  }
0x78: {  	v33 =	vmul.f32 v52, v53;
	v63 =	vadd.s32 v1, v8;
	v31 =	vadd.s32 v0, v39;
	v45 =	vld.idx.msk [tilespmem:v18+s28+$0x0], $0xffff  }
0x79: {  	v44 =	vmul.f32 v50, v54;
	v18 =	vadd.s32 v1, v23;
	v48 =	vld.idx.msk [tilespmem:v19+s28+$0x0], $0xffff;
	v19 =	vmul.f32 v43, v20  }
0x7a: {  	v10 =	vld [tilespmem:s21+$0x20];
	v51 =	vadd.s32 v1, v29;
	v40 =	vmul.f32 v40, v56;
	v50 =	vadd.s32 v1, v26  }
0x7b: {  	v35 =	vld.idx.msk [tilespmem:v61+s28+$0x0], $0xffff;
	v49 =	vmul.f32 v41, v17;
	v20 =	vadd.s32 v1, v27;
	v19 =	vadd.f32 v44, v19  }
0x7c: {  	v46 =	vmul.f32 v46, v12;
	v9 =	vld.idx.msk [tilespmem:v9+s28+$0x0], $0xffff;
	v59 =	vsub.f32 $1.000000000e+00, v13;
	v37 =	vmul.f32 v30, v62  }
0x7d: {  	v14 =	vsub.f32 $1.000000000e+00, v12;
	v40 =	vadd.f32 v40, v49;
	v49 =	vadd.s32 v1, v21;
	v31 =	vld.idx.msk [tilespmem:v31+s28+$0x0], $0xffff;
	[tilespmem:s29+$0xFFFFFE00] =	vst v19  }
0x7e: {  	v34 =	vmul.f32 v55, v13;
	v32 =	vmul.f32 v59, v32;
	v33 =	vadd.f32 v33, v37;
	v52 =	vld.idx.msk [tilespmem:v18+s28+$0x0], $0xffff  }
0x7f: {  	v55 =	vadd.s32 v1, v22;
	v44 =	vadd.s32 v1, v7;
	[tilespmem:s29+$0xFFFFFE80] =	vst v40;
	v37 =	vld.idx.msk [tilespmem:v63+s28+$0x0], $0xffff  }
0x80: {  	v58 =	vmul.f32 v14, v35;
	v32 =	vadd.f32 v34, v32;
	[tilespmem:s29+$0xFFFFFF00] =	vst v33;
	v20 =	vld.idx.msk [tilespmem:v20+s28+$0x0], $0xffff  }
0x81: {  	v57 =	vadd.s32 v1, v24;
	v61 =	vadd.s32 v1, v28;
	v19 =	vsub.f32 $1.000000000e+00, v11;
	v50 =	vld.idx.msk [tilespmem:v50+s28+$0x0], $0xffff  }
0x82: {  	v47 =	vmul.f32 v47, v11;
	[tilespmem:s29+$0xFFFFFF80] =	vst v32;
	v33 =	vadd.f32 v46, v58;
	v63 =	vsub.f32 $1.000000000e+00, v10;
	v32 =	vld.idx.msk [tilespmem:v49+s28+$0x0], $0xffff  }
0x83: {  	v60 =	vadd.s32 v1, v16;
	v9 =	vmul.f32 v9, v10;
	v36 =	vmul.f32 v19, v36;
	v49 =	vld.idx.msk [tilespmem:v51+s28+$0x0], $0xffff  }
0x84: {  	v51 =	vadd.s32 v1, v39;
	[tilespmem:s29+$0x0] =	vst v33;
	v34 =	vld.idx.msk [tilespmem:v44+s28+$0x0], $0xffff;
	v31 =	vmul.f32 v63, v31  }
0x85: {  	v33 =	vld.idx.msk [tilespmem:v55+s28+$0x0], $0xffff;
	v44 =	vadd.s32 v1, v42;
	[tilespmem:$0x1FDE0] =	vst v4;
	v36 =	vadd.f32 v47, v36  }
0x86: {  	v62 =	vmul.f32 v52, v43;
	v9 =	vadd.f32 v9, v31;
	v31 =	vld.idx.msk [tilespmem:v57+s28+$0x0], $0xffff;
	v57 =	vmul.f32 v37, v54  }
0x87: {  	v38 =	vadd.s32 v1, v4;
	v58 =	vadd.s32 v2, v8  }
0x88: {  	v47 =	vadd.s32 v2, v23;
	v35 =	vld.idx.msk [tilespmem:v60+s28+$0x0], $0xffff;
	[tilespmem:s29+$0x80] =	vst v36;
	v36 =	vadd.f32 v57, v62  }
0x89: {  	v20 =	vmul.f32 v20, v41;
	v40 =	vld.idx.msk [tilespmem:v61+s28+$0x0], $0xffff;
	v34 =	vmul.f32 v34, v56;
	[tilespmem:s29+$0x100] =	vst v9  }
0x8a: {  	v9 =	vld.idx.msk [tilespmem:v44+s28+$0x0], $0xffff;
	[tilespmem:s29+$0xFFFFFE10] =	vst v36  }
0x8b: {  	v60 =	vadd.s32 v2, v27;
	v51 =	vld.idx.msk [tilespmem:v51+s28+$0x0], $0xffff;
	v20 =	vadd.f32 v34, v20;
	[tilespmem:$0x1FDD0] =	vst v53  }
0x8c: {  	v50 =	vmul.f32 v50, v30;
	v61 =	vadd.s32 v2, v7;
	v32 =	vmul.f32 v32, v53;
	v34 =	vld.idx.msk [tilespmem:v38+s28+$0x0], $0xffff  }
0x8d: {  	v36 =	vld.idx.msk [tilespmem:v47+s28+$0x0], $0xffff;
	[tilespmem:s29+$0xFFFFFE90] =	vst v20  }
0x8e: {  	v62 =	vadd.s32 v2, v26;
	v20 =	vadd.f32 v32, v50;
	v32 =	vld.idx.msk [tilespmem:v58+s28+$0x0], $0xffff;
	[tilespmem:$0x1FDF0] =	vst v59  }
0x8f: {  	[tilespmem:$0x1FE00] =	vst v13  }
0x90: {  	v33 =	vmul.f32 v33, v13;
	v57 =	vmul.f32 v49, v59;
	v49 =	vld.idx.msk [tilespmem:v60+s28+$0x0], $0xffff;
	[tilespmem:s29+$0xFFFFFF10] =	vst v20  }
0x91: {  	v38 =	vadd.s32 v2, v21;
	v44 =	vld.idx.msk [tilespmem:v61+s28+$0x0], $0xffff;
	[tilespmem:$0x1FE30] =	vst v14  }
0x92: {  	v20 =	vmul.f32 v31, v14;
	v31 =	vadd.f32 v33, v57;
	[tilespmem:$0x1FE50] =	vst v12  }
0x93: {  	v37 =	vadd.s32 v2, v29;
	v58 =	vmul.f32 v35, v12;
	v35 =	vld.idx.msk [tilespmem:v62+s28+$0x0], $0xffff;
	[tilespmem:$0x1FE80] =	vst v19  }
0x94: {  	s21 =	simm.s32 $0xC0;
	v50 =	vadd.s32 v2, v22;
	[tilespmem:s29+$0xFFFFFF90] =	vst v31  }
0x95: {  	v52 =	vadd.s32 v2, v24;
	v20 =	vadd.f32 v58, v20;
	v62 =	vld [tilespmem:s21+$0x30];
	[tilespmem:$0x1FE90] =	vst v11  }
0x96: {  	v60 =	vadd.s32 v2, v16;
	v33 =	vld.idx.msk [tilespmem:v38+s28+$0x0], $0xffff;
	[tilespmem:$0x1FEA0] =	vst v63  }
0x97: {  	v9 =	vmul.f32 v9, v19;
	v61 =	vadd.s32 v2, v42;
	v31 =	vmul.f32 v40, v11;
	[tilespmem:s29+$0x10] =	vst v20  }
0x98: {  	v55 =	vadd.s32 v2, v28;
	v57 =	vadd.s32 v2, v39;
	v37 =	vld.idx.msk [tilespmem:v37+s28+$0x0], $0xffff;
	[tilespmem:$0x1FF30] =	vst v10  }
0x99: {  	v51 =	vmul.f32 v51, v63;
	v9 =	vadd.f32 v31, v9;
	v20 =	vmul.f32 v34, v10;
	v31 =	vld.idx.msk [tilespmem:v50+s28+$0x0], $0xffff  }
0x9a: {  	v45 =	vmul.f32 v45, v6;
	v48 =	vmul.f32 v48, v5;
	v58 =	vadd.s32 v2, v4;
	v50 =	vld.idx.msk [tilespmem:v52+s28+$0x0], $0xffff  }
0x9b: {  	[tilespmem:s29+$0x90] =	vst v9;
	v5 =	vadd.f32 v20, v51;
	v9 =	vld.idx.msk [tilespmem:v60+s28+$0x0], $0xffff  }
0x9c: {  	v4 =	vadd.f32 v48, v45;
	v46 =	vld.idx.msk [tilespmem:v61+s28+$0x0], $0xffff  }
0x9d: {  	v47 =	vadd.s32 v3, v8;
	v38 =	vld.idx.msk [tilespmem:v55+s28+$0x0], $0xffff;
	[tilespmem:s29+$0x110] =	vst v5  }
0x9e: {  	v32 =	vmul.f32 v32, v54;
	v20 =	vadd.s32 $0x1, v62;
	v6 =	vshll.u32 v62, $0x3;
	v40 =	vld.idx.msk [tilespmem:v57+s28+$0x0], $0xffff;
	[tilespmem:$0x1FEB0] =	vst v4  }
0x9f: {  	v60 =	vand.u32 $0x7F, v62;
	v6 =	vand.u32 $0xFFFFFC00, v6;
	v55 =	vadd.s32 v3, v22;
	v34 =	vld.idx.msk [tilespmem:v58+s28+$0x0], $0xffff  }
0xa0: {  	v22 =	vadd.s32 v3, v23;
	v57 =	vadd.s32 v3, v27;
	v27 =	vmul.f32 v36, v43;
	v58 =	vld [tilespmem:s21+$0xFFFFFFD0]  }
0xa1: {  	s22 =	simm.s32 $0x4C0;
	v15 =	vmovc v12;
	v61 =	vshll.u32 v20, $0x3;
	v12 =	vor.u32 v60, v6;
	v5 =	vand.u32 $0x7F, v20;
	v36 =	vld [tilespmem:s21+$0xFFFFFFE0]  }
0xa2: {  	v25 =	vmovc v14;
	v14 =	vmovc v11;
	v20 =	vand.u32 $0xFFFFFC00, v61;
	v8 =	vadd.s32 v0, v12;
	v11 =	vld [tilespmem:s22+$0x30];
	v27 =	vadd.f32 v32, v27  }
0xa3: {  	v17 =	vmov v13;
	v13 =	vor.u32 v5, v20;
	v60 =	vld [tilespmem:s21+$0xFFFFFFF0]  }
0xa4: {  	v62 =	vadd.s32 v0, v13;
	v61 =	vld [tilespmem:s21+$0x0];
	[tilespmem:s29+$0xFFFFFE20] =	vst v27  }
0xa5: {  	v18 =	vmov v53;
	v35 =	vmul.f32 v35, v30;
	v4 =	vld.idx.msk [tilespmem:v22+s28+$0x0], $0xffff  }
0xa6: {  	v33 =	vmul.f32 v33, v18;
	v9 =	vmul.f32 v9, v15;
	v15 =	vld [tilespmem:s21+$0x20]  }
0xa7: {  	v51 =	vld.idx.msk [tilespmem:v8+s28+$0x0], $0xffff  }
0xa8: {  	v8 =	vmul.f32 v37, v59;
	v59 =	vadd.f32 v33, v35;
	v35 =	vld [tilespmem:s21+$0xFFFFFFC0]  }
0xa9: {  	v32 =	vld.idx.msk [tilespmem:v62+s28+$0x0], $0xffff  }
0xaa: {  	v62 =	vld [tilespmem:s21+$0x10];
	[tilespmem:$0x1FDA0] =	vst v4  }
0xab: {  	v4 =	vld.idx.msk [tilespmem:v47+s28+$0x0], $0xffff  }
0xac: {  	v26 =	vadd.s32 v3, v26;
	v49 =	vmul.f32 v49, v41;
	v44 =	vmul.f32 v44, v56  }
0xad: {  	v52 =	vmul.f32 v46, v19;
	v38 =	vmul.f32 v38, v14;
	v14 =	vsub.f32 $1.000000000e+00, v11  }
0xae: {  	v46 =	vadd.s32 v1, v12;
	v37 =	vadd.f32 v44, v49;
	v44 =	vmul.f32 v50, v25  }
0xaf: {  	v25 =	vadd.f32 v38, v52;
	v52 =	vmul.f32 v14, v51;
	v32 =	vmul.f32 v32, v11  }
0xb0: {  	v50 =	vadd.s32 v1, v13;
	[tilespmem:$0x1FDB0] =	vst v4  }
0xb1: {  	v32 =	vadd.f32 v32, v52;
	[tilespmem:s29+$0xFFFFFF20] =	vst v59  }
0xb2: {  	s30 =	sadd.s32 $0x400, s29;
	v53 =	vadd.s32 v3, v7;
	v44 =	vadd.f32 v9, v44;
	v9 =	vld.idx.msk [tilespmem:v26+s28+$0x0], $0xffff  }
0xb3: {  	v21 =	vadd.s32 v3, v21;
	[tilespmem:s30+$0x180] =	vst v32  }
0xb4: {  	v24 =	vadd.s32 v3, v24;
	v31 =	vmul.f32 v31, v17;
	v33 =	vld.idx.msk [tilespmem:v46+s28+$0x0], $0xffff  }
0xb5: {  	v29 =	vadd.s32 v3, v29;
	v40 =	vmul.f32 v40, v63;
	[tilespmem:s29+$0xFFFFFEA0] =	vst v37;
	v50 =	vld.idx.msk [tilespmem:v50+s28+$0x0], $0xffff  }
0xb6: {  	v34 =	vmul.f32 v34, v10;
	v49 =	vadd.s32 $0x1, v58;
	v48 =	vadd.f32 v31, v8;
	v57 =	vld.idx.msk [tilespmem:v57+s28+$0x0], $0xffff  }
0xb7: {  	v27 =	vadd.s32 $0x1, v36;
	v63 =	vadd.s32 $0x1, v60;
	v22 =	vshll.u32 v49, $0x3;
	v59 =	vld.idx.msk [tilespmem:v53+s28+$0x0], $0xffff;
	[tilespmem:$0x1FDC0] =	vst v9  }
0xb8: {  	v38 =	vadd.s32 $0x1, v61;
	v5 =	vand.u32 $0xFFFFFC00, v22;
	v53 =	vld.idx.msk [tilespmem:v21+s28+$0x0], $0xffff;
	v21 =	vand.u32 $0x7F, v49;
	[tilespmem:s29+$0xFFFFFFA0] =	vst v48  }
0xb9: {  	v6 =	vshll.u32 v58, $0x3;
	v20 =	vshll.u32 v27, $0x3;
	v48 =	vor.u32 v21, v5;
	v5 =	vld.idx.msk [tilespmem:v55+s28+$0x0], $0xffff  }
0xba: {  	v45 =	vadd.s32 $0x1, v15;
	v7 =	vand.u32 $0xFFFFFC00, v20;
	v32 =	vadd.s32 $0x1, v35  }
0xbb: {  	v34 =	vadd.f32 v34, v40;
	v40 =	vshll.u32 v60, $0x3;
	v52 =	vshll.u32 v32, $0x3  }
0xbc: {  	v51 =	vshll.u32 v38, $0x3;
	v22 =	vand.u32 $0x7F, v32;
	v46 =	vand.u32 $0xFFFFFC00, v52;
	v52 =	vld [tilespmem:s22+$0xFFFFFFC0]  }
0xbd: {  	v38 =	vand.u32 $0x7F, v38;
	v47 =	vshll.u32 v63, $0x3;
	v46 =	vor.u32 v22, v46;
	v22 =	vld [tilespmem:s22+$0xFFFFFFD0];
	[tilespmem:s29+$0x20] =	vst v44  }
0xbe: {  	v8 =	vadd.s32 $0x1, v62;
	v47 =	vand.u32 $0xFFFFFC00, v47;
	v4 =	vshll.u32 v45, $0x3;
	v49 =	vld.idx.msk [tilespmem:v29+s28+$0x0], $0xffff;
	[tilespmem:$0x1FE10] =	vst v5  }
0xbf: {  	v10 =	vand.u32 $0xFFFFFC00, v4;
	v4 =	vand.u32 $0xFFFFFC00, v6;
	v6 =	vand.u32 $0x7F, v27;
	v5 =	vld.idx.msk [tilespmem:v24+s28+$0x0], $0xffff  }
0xc0: {  	v19 =	vor.u32 v6, v7;
	v29 =	vand.u32 $0x7F, v63;
	v55 =	vadd.s32 v0, v48  }
0xc1: {  	v51 =	vand.u32 $0xFFFFFC00, v51;
	v31 =	vor.u32 v29, v47;
	v29 =	vadd.s32 v0, v19  }
0xc2: {  	v26 =	vmul.f32 v33, v14;
	v32 =	vmul.f32 v50, v11;
	v50 =	vadd.s32 v2, v12  }
0xc3: {  	v23 =	vshll.u32 v8, $0x3;
	v8 =	vand.u32 $0x7F, v8;
	v21 =	vadd.s32 v2, v13  }
0xc4: {  	v17 =	vor.u32 v38, v51;
	v27 =	vadd.s32 v0, v46;
	v26 =	vadd.f32 v32, v26;
	[tilespmem:$0x1FE40] =	vst v5  }
0xc5: {  	v37 =	vshll.u32 v35, $0x3;
	v9 =	vand.u32 $0xFFFFFC00, v23;
	v38 =	vadd.s32 v0, v31;
	v51 =	vld.idx.msk [tilespmem:v55+s28+$0x0], $0xffff  }
0xc6: {  	v35 =	vand.u32 $0x7F, v35;
	v20 =	vor.u32 v8, v9;
	v8 =	vadd.s32 v0, v17;
	[tilespmem:s30+$0x190] =	vst v26;
	v29 =	vld.idx.msk [tilespmem:v29+s28+$0x0], $0xffff  }
0xc7: {  	v37 =	vand.u32 $0xFFFFFC00, v37;
	v12 =	vadd.s32 v3, v12;
	v63 =	vand.u32 $0x7F, v45;
	v47 =	vld.idx.msk [tilespmem:v50+s28+$0x0], $0xffff  }
0xc8: {  	v26 =	vor.u32 v63, v10;
	v10 =	vadd.s32 v0, v20;
	v55 =	vand.u32 $0x7F, v36;
	v9 =	vld.idx.msk [tilespmem:v21+s28+$0x0], $0xffff  }
0xc9: {  	v50 =	vld.idx.msk [tilespmem:v27+s28+$0x0], $0xffff;
	v27 =	vand.u32 $0x7F, v58;
	v58 =	vor.u32 v35, v37;
	v37 =	vshll.u32 v36, $0x3  }
0xca: {  	v6 =	vld.idx.msk [tilespmem:v38+s28+$0x0], $0xffff;
	v45 =	vor.u32 v27, v4;
	v4 =	vadd.s32 v0, v58;
	v27 =	vand.u32 $0xFFFFFC00, v37  }
0xcb: {  	v13 =	vadd.s32 v3, v13;
	v8 =	vld.idx.msk [tilespmem:v8+s28+$0x0], $0xffff;
	v63 =	vadd.s32 v0, v45;
	v44 =	vor.u32 v55, v27  }
0xcc: {  	v38 =	vand.u32 $0x7F, v61;
	v33 =	vld [tilespmem:s22+$0xFFFFFFE0];
	v35 =	vadd.s32 v0, v26;
	v32 =	vadd.s32 v0, v44  }
0xcd: {  	v21 =	vld [tilespmem:s22+$0x10];
	v37 =	vand.u32 $0xFFFFFC00, v40;
	v27 =	vmul.f32 v47, v14;
	v9 =	vmul.f32 v9, v11  }
0xce: {  	[tilespmem:s29+$0x120] =	vst v34;
	v55 =	vand.u32 $0x7F, v60;
	v60 =	vshll.u32 v61, $0x3;
	v34 =	vadd.s32 v1, v45;
	v10 =	vld.idx.msk [tilespmem:v10+s28+$0x0], $0xffff  }
0xcf: {  	v40 =	vor.u32 v55, v37;
	v37 =	vand.u32 $0xFFFFFC00, v60;
	v4 =	vld.idx.msk [tilespmem:v4+s28+$0x0], $0xffff;
	v9 =	vadd.f32 v9, v27  }
0xd0: {  	v55 =	vsub.f32 $1.000000000e+00, v52;
	v60 =	vadd.s32 v0, v40;
	v38 =	vor.u32 v38, v37;
	v47 =	vld.idx.msk [tilespmem:v63+s28+$0x0], $0xffff  }
0xd1: {  	v37 =	vsub.f32 $1.000000000e+00, v22;
	v27 =	vshll.u32 v62, $0x3;
	v63 =	vshll.u32 v15, $0x3;
	v61 =	vld.idx.msk [tilespmem:v32+s28+$0x0], $0xffff;
	[tilespmem:s30+$0x1A0] =	vst v9  }
0xd2: {  	v36 =	vand.u32 $0xFFFFFC00, v27;
	v32 =	vmul.f32 v50, v52;
	v9 =	vand.u32 $0x7F, v62;
	v12 =	vld.idx.msk [tilespmem:v12+s28+$0x0], $0xffff  }
0xd3: {  	v50 =	vadd.s32 v0, v38;
	v36 =	vor.u32 v9, v36;
	v9 =	vand.u32 $0xFFFFFC00, v63;
	v63 =	vld [tilespmem:s22+$0xFFFFFFF0]  }
0xd4: {  	v18 =	vsub.f32 $1.000000000e+00, v33;
	v15 =	vand.u32 $0x7F, v15;
	v13 =	vld.idx.msk [tilespmem:v13+s28+$0x0], $0xffff;
	v62 =	vadd.s32 v0, v36  }
0xd5: {  	v51 =	vmul.f32 v51, v22;
	v4 =	vmul.f32 v55, v4;
	v7 =	vor.u32 v15, v9;
	v15 =	vld.idx.msk [tilespmem:v60+s28+$0x0], $0xffff  }
0xd6: {  	v29 =	vmul.f32 v29, v33;
	v9 =	vld [tilespmem:s22+$0x0];
	v47 =	vmul.f32 v37, v47;
	v60 =	vadd.s32 v0, v7  }
0xd7: {  	v24 =	vld [tilespmem:s22+$0x20];
	v5 =	vadd.f32 v32, v4;
	v61 =	vmul.f32 v18, v61;
	v4 =	vadd.s32 v1, v58  }
0xd8: {  	[tilespmem:s29+$0xA0] =	vst v25;
	v50 =	vld.idx.msk [tilespmem:v50+s28+$0x0], $0xffff;
	v47 =	vadd.f32 v51, v47;
	v51 =	vadd.s32 v1, v46;
	v25 =	vsub.f32 $1.000000000e+00, v63  }
0xd9: {  	v10 =	vmul.f32 v10, v21;
	v12 =	vmul.f32 v12, v14;
	v14 =	vadd.s32 v3, v16;
	v16 =	vld.idx.msk [tilespmem:v62+s28+$0x0], $0xffff  }
0xda: {  	v35 =	vld.idx.msk [tilespmem:v35+s28+$0x0], $0xffff;
	v61 =	vadd.f32 v29, v61;
	v6 =	vmul.f32 v6, v63;
	v15 =	vmul.f32 v25, v15  }
0xdb: {  	[tilespmem:s30+$0xFFFFFE00] =	vst v5;
	v5 =	vmul.f32 v13, v11;
	v13 =	vadd.s32 v1, v48;
	v62 =	vsub.f32 $1.000000000e+00, v9;
	v11 =	vld.idx.msk [tilespmem:v60+s28+$0x0], $0xffff  }
0xdc: {  	v23 =	vsub.f32 $1.000000000e+00, v21;
	[tilespmem:s30+$0xFFFFFE80] =	vst v47;
	v47 =	vadd.s32 v1, v44;
	v6 =	vadd.f32 v6, v15;
	v15 =	vld.idx.msk [tilespmem:v4+s28+$0x0], $0xffff  }
0xdd: {  	v8 =	vmul.f32 v8, v9;
	v60 =	vadd.s32 v1, v19;
	v50 =	vmul.f32 v62, v50;
	v51 =	vld.idx.msk [tilespmem:v51+s28+$0x0], $0xffff  }
0xde: {  	[tilespmem:s30+$0xFFFFFF00] =	vst v61;
	v4 =	vld.idx.msk [tilespmem:v14+s28+$0x0], $0xffff;
	v14 =	vmul.f32 v23, v16;
	v16 =	vadd.s32 v1, v40  }
0xdf: {  	v32 =	vsub.f32 $1.000000000e+00, v24;
	v34 =	vld.idx.msk [tilespmem:v34+s28+$0x0], $0xffff;
	v8 =	vadd.f32 v8, v50;
	[tilespmem:$0x1FF20] =	vst v31  }
0xe0: {  	v50 =	vadd.s32 v1, v31;
	[tilespmem:s30+$0xFFFFFF80] =	vst v6;
	v6 =	vadd.f32 v10, v14;
	v10 =	vld.idx.msk [tilespmem:v13+s28+$0x0], $0xffff  }
0xe1: {  	v11 =	vmul.f32 v32, v11;
	v14 =	vmul.f32 v35, v24;
	v35 =	vld.idx.msk [tilespmem:v47+s28+$0x0], $0xffff;
	[tilespmem:$0x1FF40] =	vst v17  }
0xe2: {  	v13 =	vadd.s32 v1, v38;
	v60 =	vld.idx.msk [tilespmem:v60+s28+$0x0], $0xffff;
	v15 =	vmul.f32 v15, v55;
	[tilespmem:s30+$0x0] =	vst v8  }
0xe3: {  	v51 =	vmul.f32 v51, v52;
	v8 =	vadd.f32 v14, v11;
	v11 =	vld.idx.msk [tilespmem:v16+s28+$0x0], $0xffff;
	[tilespmem:$0x1FF70] =	vst v20  }
0xe4: {  	[tilespmem:s30+$0x80] =	vst v6  }
0xe5: {  	v29 =	vmov v7;
	v47 =	vadd.s32 v1, v17;
	v6 =	vadd.f32 v51, v15;
	v15 =	vld.idx.msk [tilespmem:v50+s28+$0x0], $0xffff;
	[tilespmem:$0x1FF80] =	vst v7  }
0xe6: {  	v61 =	vadd.s32 v1, v36;
	v5 =	vadd.f32 v5, v12;
	v16 =	vadd.s32 v1, v7;
	v7 =	vld [tilespmem:$0x1FDA0];
	[tilespmem:s30+$0x100] =	vst v8  }
0xe7: {  	v14 =	vadd.s32 v1, v20;
	v8 =	vld.idx.msk [tilespmem:v13+s28+$0x0], $0xffff;
	[tilespmem:$0x1FFA0] =	vst v26  }
0xe8: {  	[tilespmem:$0x1FEE0] =	vst v5  }
0xe9: {  	[tilespmem:s30+$0xFFFFFE10] =	vst v6  }
0xea: {  	v5 =	vld.idx.msk [tilespmem:v47+s28+$0x0], $0xffff;
	[tilespmem:$0x1FF50] =	vst v22  }
0xeb: {  	v12 =	vmul.f32 v34, v37;
	v34 =	vld.idx.msk [tilespmem:v61+s28+$0x0], $0xffff;
	[tilespmem:$0x1FF90] =	vst v18  }
0xec: {  	v14 =	vld.idx.msk [tilespmem:v14+s28+$0x0], $0xffff;
	[tilespmem:$0x1FFC0] =	vst v25  }
0xed: {  	v61 =	vld.idx.msk [tilespmem:v16+s28+$0x0], $0xffff  }
0xee: {  	v16 =	vld [tilespmem:$0x1FDB0]  }
0xef: {  	v13 =	vadd.s32 v1, v26  }
0xf0: {  	v42 =	vadd.s32 v3, v42  }
0xf1: {  	v6 =	vadd.s32 v2, v58  }
0xf2: {  	v47 =	vadd.s32 v2, v46;
	v11 =	vmul.f32 v11, v25;
	v15 =	vmul.f32 v15, v63  }
0xf3: {  	v43 =	vmul.f32 v7, v43;
	v16 =	vmul.f32 v16, v54  }
0xf4: {  	v28 =	vadd.s32 v3, v28;
	v56 =	vmul.f32 v59, v56;
	v10 =	vmul.f32 v10, v22;
	v13 =	vld.idx.msk [tilespmem:v13+s28+$0x0], $0xffff  }
0xf5: {  	v11 =	vadd.f32 v15, v11;
	v42 =	vld.idx.msk [tilespmem:v42+s28+$0x0], $0xffff;
	v54 =	vmul.f32 v57, v41;
	v15 =	vadd.f32 v16, v43  }
0xf6: {  	v35 =	vmul.f32 v35, v18;
	v60 =	vmul.f32 v60, v33;
	v10 =	vadd.f32 v10, v12;
	v6 =	vld.idx.msk [tilespmem:v6+s28+$0x0], $0xffff  }
0xf7: {  	v47 =	vld.idx.msk [tilespmem:v47+s28+$0x0], $0xffff;
	[tilespmem:$0x1FEF0] =	vst v15;
	v15 =	vadd.f32 v56, v54  }
0xf8: {  	v12 =	vadd.f32 v60, v35;
	[tilespmem:s30+$0xFFFFFE90] =	vst v10  }
0xf9: {  	v43 =	vld.idx.msk [tilespmem:v28+s28+$0x0], $0xffff;
	[tilespmem:$0x1FF00] =	vst v15  }
0xfa: {  	[tilespmem:s30+$0xFFFFFF10] =	vst v12  }
0xfb: {  	v15 =	vld [tilespmem:$0x1FDC0];
	_ =	sdelay $0x4  }
0xfc: {  	v30 =	vmul.f32 v15, v30;
	v15 =	vld [tilespmem:$0x1FDD0]  }
0xfd: {  	v39 =	vadd.s32 v3, v39;
	v8 =	vmul.f32 v8, v62;
	v5 =	vmul.f32 v5, v9  }
0xfe: {  	v34 =	vmul.f32 v34, v23;
	v14 =	vmul.f32 v14, v21;
	v57 =	vadd.s32 v2, v45  }
0xff: {  	v5 =	vadd.f32 v5, v8;
	v8 =	vadd.s32 v2, v48  }
0x100: {  	s15 =	simm.s32 $0x140;
	v59 =	vmul.f32 v61, v32;
	v10 =	vadd.f32 v14, v34;
	v14 =	vadd.s32 v2, v44  }
0x101: {  	v27 =	vmovc v17;
	v17 =	vmov v20;
	v13 =	vmul.f32 v13, v24;
	v28 =	vld [tilespmem:s15+$0x30];
	v20 =	vmul.f32 v53, v15  }
0x102: {  	v35 =	vld.idx.msk [tilespmem:v39+s28+$0x0], $0xffff  }
0x103: {  	v34 =	vadd.f32 v13, v59;
	v50 =	vld.idx.msk [tilespmem:v57+s28+$0x0], $0xffff;
	v13 =	vadd.f32 v20, v30  }
0x104: {  	v8 =	vld.idx.msk [tilespmem:v8+s28+$0x0], $0xffff  }
0x105: {  	v53 =	vld.idx.msk [tilespmem:v14+s28+$0x0], $0xffff;
	[tilespmem:$0x1FF10] =	vst v13  }
0x106: {  	[tilespmem:s30+$0xFFFFFF90] =	vst v11  }
0x107: {  	v12 =	vadd.s32 v2, v19;
	[tilespmem:s30+$0x10] =	vst v5  }
0x108: {  	v61 =	vadd.s32 v2, v40;
	v5 =	vld [tilespmem:$0x1FDE0]  }
0x109: {  	v56 =	vadd.s32 v2, v31  }
0x10a: {  	v57 =	vadd.s32 v2, v38  }
0x10b: {  	v6 =	vmul.f32 v6, v55;
	v14 =	vshll.u32 v28, $0x3  }
0x10c: {  	v60 =	vmul.f32 v47, v52;
	v14 =	vand.u32 $0xFFFFFC00, v14;
	v20 =	vand.u32 $0x7F, v28;
	v12 =	vld.idx.msk [tilespmem:v12+s28+$0x0], $0xffff  }
0x10d: {  	v30 =	vor.u32 v20, v14;
	v20 =	vld.idx.msk [tilespmem:v61+s28+$0x0], $0xffff;
	v41 =	vadd.s32 v3, v5;
	v5 =	vadd.s32 v3, v58  }
0x10e: {  	v6 =	vadd.f32 v60, v6;
	v59 =	vadd.s32 v2, v27;
	v47 =	vld.idx.msk [tilespmem:v56+s28+$0x0], $0xffff  }
0x10f: {  	v8 =	vmul.f32 v8, v22;
	[tilespmem:s30+$0x90] =	vst v10;
	v10 =	vmul.f32 v50, v37;
	v50 =	vld.idx.msk [tilespmem:v57+s28+$0x0], $0xffff  }
0x110: {  	v7 =	vmov v18;
	v14 =	vadd.s32 $0x1, v28;
	v28 =	vadd.s32 v2, v17;
	v13 =	vld [tilespmem:$0x1FDF0];
	[tilespmem:s30+$0xFFFFFE20] =	vst v6  }
0x111: {  	v60 =	vshll.u32 v14, $0x3;
	v10 =	vadd.f32 v8, v10;
	v8 =	vmul.f32 v53, v7;
	v7 =	vld [tilespmem:$0x1FE10]  }
0x112: {  	v14 =	vand.u32 $0x7F, v14;
	v11 =	vadd.s32 v2, v36;
	v61 =	vand.u32 $0xFFFFFC00, v60;
	v53 =	vld.idx.msk [tilespmem:v5+s28+$0x0], $0xffff  }
0x113: {  	v51 =	vadd.s32 v0, v30;
	v14 =	vor.u32 v14, v61;
	v5 =	vld [tilespmem:$0x1FE00]  }
0x114: {  	v39 =	vld.idx.msk [tilespmem:v59+s28+$0x0], $0xffff;
	v6 =	vadd.s32 v0, v14  }
0x115: {  	s21 =	simm.s32 $0x540;
	v56 =	vld.idx.msk [tilespmem:v28+s28+$0x0], $0xffff  }
0x116: {  	v28 =	vld [tilespmem:s21+$0x30]  }
0x117: {  	v18 =	vmov v25;
	v11 =	vld.idx.msk [tilespmem:v11+s28+$0x0], $0xffff;
	v12 =	vmul.f32 v12, v33  }
0x118: {  	v5 =	vmul.f32 v7, v5;
	v7 =	vmul.f32 v20, v18;
	v20 =	vld.idx.msk [tilespmem:v51+s28+$0x0], $0xffff;
	[tilespmem:$0x1FE20] =	vst v9  }
0x119: {  	v25 =	vmul.f32 v49, v13;
	v12 =	vadd.f32 v12, v8;
	v8 =	vmul.f32 v47, v63;
	v47 =	vld.idx.msk [tilespmem:v6+s28+$0x0], $0xffff  }
0x11a: {  	v6 =	vld [tilespmem:$0x1FE40]  }
0x11b: {  	v54 =	vadd.s32 v2, v29;
	v29 =	vadd.f32 v5, v25;
	v5 =	vld [tilespmem:$0x1FE30];
	_ =	sdelay $0x4  }
0x11c: {  	v6 =	vmul.f32 v6, v5;
	v5 =	vld [tilespmem:$0x1FE50];
	_ =	sdelay $0x4  }
0x11d: {  	v4 =	vmul.f32 v4, v5;
	_ =	sdelay $0x1  }
0x11e: {  	v27 =	vadd.f32 v4, v6;
	v4 =	vld [tilespmem:$0x1FE90];
	_ =	sdelay $0x4  }
0x11f: {  	v13 =	vmul.f32 v43, v4;
	v4 =	vld [tilespmem:$0x1FEA0];
	_ =	sdelay $0x1  }
0x120: {  	v57 =	vadd.s32 v3, v46;
	v46 =	vmul.f32 v50, v62;
	v50 =	vld [tilespmem:s15+$0xFFFFFFC0];
	v25 =	vmul.f32 v39, v9  }
0x121: {  	v60 =	vadd.s32 v2, v26;
	[tilespmem:$0x1FE60] =	vst v23;
	v5 =	vld [tilespmem:$0x1FE80]  }
0x122: {  	v11 =	vmul.f32 v11, v23;
	v59 =	vld [tilespmem:s15+$0xFFFFFFD0];
	[tilespmem:$0x1FE70] =	vst v21;
	v26 =	vadd.f32 v25, v46;
	v25 =	vmul.f32 v56, v21  }
0x123: {  	v17 =	vsub.f32 $1.000000000e+00, v28;
	v56 =	vld [tilespmem:s15+$0xFFFFFFE0];
	v4 =	vmul.f32 v35, v4  }
0x124: {  	v61 =	vadd.s32 v3, v19;
	v31 =	vadd.f32 v25, v11  }
0x125: {  	v11 =	vmul.f32 v17, v20;
	v19 =	vmul.f32 v47, v28;
	v20 =	vadd.s32 v1, v30;
	[tilespmem:$0x1FF60] =	vst v4  }
0x126: {  	v58 =	vadd.s32 v3, v48;
	v18 =	vmul.f32 v42, v5;
	v42 =	vadd.s32 v1, v14;
	v25 =	vld [tilespmem:s15+$0xFFFFFFF0]  }
0x127: {  	v48 =	vmul.f32 v53, v55;
	v55 =	vadd.s32 $0x1, v50;
	v11 =	vadd.f32 v19, v11  }
0x128: {  	s0 =	sadd.s32 $0x400, s30;
	v45 =	vadd.s32 v3, v45;
	v51 =	vshll.u32 v55, $0x3;
	v53 =	vadd.s32 $0x1, v56  }
0x129: {  	v49 =	vadd.s32 $0x1, v59;
	v39 =	vand.u32 $0xFFFFFC00, v51;
	v47 =	vand.u32 $0x7F, v53;
	v19 =	vld [tilespmem:s15+$0x0];
	[tilespmem:s0+$0x180] =	vst v11  }
0x12a: {  	v43 =	vand.u32 $0x7F, v49;
	v35 =	vand.u32 $0x7F, v55;
	v11 =	vshll.u32 v49, $0x3;
	v20 =	vld.idx.msk [tilespmem:v20+s28+$0x0], $0xffff  }
0x12b: {  	v55 =	vshll.u32 v53, $0x3;
	v11 =	vand.u32 $0xFFFFFC00, v11;
	v51 =	vld.idx.msk [tilespmem:v42+s28+$0x0], $0xffff;
	v49 =	vadd.s32 $0x1, v25  }
0x12c: {  	v39 =	vor.u32 v35, v39;
	v46 =	vld.idx.msk [tilespmem:v41+s28+$0x0], $0xffff;
	v41 =	vor.u32 v43, v11;
	v11 =	vshll.u32 v49, $0x3  }
0x12d: {  	v35 =	vand.u32 $0xFFFFFC00, v55;
	v6 =	vld [tilespmem:s15+$0x10];
	[tilespmem:s30+$0x110] =	vst v34;
	v49 =	vand.u32 $0x7F, v49;
	v11 =	vand.u32 $0xFFFFFC00, v11  }
0x12e: {  	v42 =	vor.u32 v47, v35;
	v35 =	vld.idx.msk [tilespmem:v54+s28+$0x0], $0xffff;
	v43 =	vor.u32 v49, v11  }
0x12f: {  	v15 =	vadd.f32 v8, v7;
	[tilespmem:s30+$0xFFFFFEA0] =	vst v10;
	v7 =	vld.idx.msk [tilespmem:v60+s28+$0x0], $0xffff;
	v4 =	vadd.s32 v0, v43  }
0x130: {  	v60 =	vld.idx.msk [tilespmem:v45+s28+$0x0], $0xffff;
	v20 =	vmul.f32 v20, v17;
	v10 =	vmul.f32 v51, v28  }
0x131: {  	v53 =	vadd.s32 v3, v44;
	v49 =	vld [tilespmem:s15+$0x20]  }
0x132: {  	[tilespmem:s30+$0xFFFFFF20] =	vst v12;
	v12 =	vadd.s32 v0, v39;
	v58 =	vld.idx.msk [tilespmem:v58+s28+$0x0], $0xffff;
	v34 =	vadd.s32 $0x1, v19;
	v10 =	vadd.f32 v10, v20  }
0x133: {  	v55 =	vand.u32 $0x7F, v34;
	v11 =	vshll.u32 v34, $0x3;
	v34 =	vld.idx.msk [tilespmem:v57+s28+$0x0], $0xffff  }
0x134: {  	v47 =	vadd.s32 $0x1, v6;
	v57 =	vadd.s32 v2, v14;
	v11 =	vand.u32 $0xFFFFFC00, v11;
	[tilespmem:s0+$0x190] =	vst v10;
	v21 =	vld.idx.msk [tilespmem:v4+s28+$0x0], $0xffff  }
0x135: {  	v51 =	vadd.s32 v2, v30;
	v44 =	vor.u32 v55, v11;
	v11 =	vshll.u32 v47, $0x3;
	v4 =	vld [tilespmem:$0x1FEB0]  }
0x136: {  	v54 =	vld.idx.msk [tilespmem:v53+s28+$0x0], $0xffff;
	v20 =	vand.u32 $0x7F, v47;
	v11 =	vand.u32 $0xFFFFFC00, v11;
	v47 =	vadd.s32 $0x1, v49  }
0x137: {  	v9 =	vld.idx.msk [tilespmem:v12+s28+$0x0], $0xffff;
	v45 =	vor.u32 v20, v11;
	v11 =	vadd.s32 v0, v42;
	v10 =	vshll.u32 v47, $0x3  }
0x138: {  	v53 =	vadd.s32 v0, v41;
	v55 =	vld.idx.msk [tilespmem:v61+s28+$0x0], $0xffff;
	v20 =	vand.u32 $0x7F, v47;
	v10 =	vand.u32 $0xFFFFFC00, v10  }
0x139: {  	v47 =	vor.u32 v20, v10;
	v10 =	vld.idx.msk [tilespmem:v57+s28+$0x0], $0xffff;
	v57 =	vadd.s32 v0, v44  }
0x13a: {  	v61 =	vld.idx.msk [tilespmem:v51+s28+$0x0], $0xffff;
	[tilespmem:s29+$0x1B0] =	vst v4  }
0x13b: {  	v20 =	vshll.u32 v50, $0x3;
	v4 =	vld [tilespmem:$0x1FEE0]  }
0x13c: {  	v50 =	vand.u32 $0x7F, v50;
	v20 =	vand.u32 $0xFFFFFC00, v20;
	v16 =	vld.idx.msk [tilespmem:v11+s28+$0x0], $0xffff  }
0x13d: {  	v51 =	vor.u32 v50, v20;
	v20 =	vld.idx.msk [tilespmem:v53+s28+$0x0], $0xffff  }
0x13e: {  	v23 =	vld.idx.msk [tilespmem:v57+s28+$0x0], $0xffff;
	[tilespmem:$0x1FEC0] =	vst v32  }
0x13f: {  	[tilespmem:$0x1FED0] =	vst v24  }
0x140: {  	[tilespmem:s30+$0x1B0] =	vst v4  }
0x141: {  	v4 =	vld [tilespmem:$0x1FEF0];
	_ =	sdelay $0x3  }
0x142: {  	v12 =	vadd.s32 v0, v45  }
0x143: {  	v7 =	vmul.f32 v7, v24;
	v11 =	vshll.u32 v56, $0x3;
	[tilespmem:s29+$0xFFFFFE30] =	vst v4  }
0x144: {  	v56 =	vand.u32 $0x7F, v56;
	v50 =	vshll.u32 v59, $0x3;
	v53 =	vadd.s32 v0, v47;
	v4 =	vld [tilespmem:$0x1FF00]  }
0x145: {  	v11 =	vand.u32 $0xFFFFFC00, v11;
	v59 =	vand.u32 $0x7F, v59;
	v50 =	vand.u32 $0xFFFFFC00, v50  }
0x146: {  	v59 =	vor.u32 v59, v50;
	v50 =	vor.u32 v56, v11;
	v11 =	vmul.f32 v35, v32  }
0x147: {  	v18 =	vadd.f32 v13, v18;
	v13 =	vand.u32 $0x7F, v25;
	v5 =	vadd.s32 v0, v51;
	v22 =	vld.idx.msk [tilespmem:v12+s28+$0x0], $0xffff  }
0x148: {  	v57 =	vmul.f32 v61, v17;
	v12 =	vshll.u32 v25, $0x3;
	v7 =	vadd.f32 v7, v11;
	v11 =	vld [tilespmem:s21+$0xFFFFFFC0]  }
0x149: {  	v10 =	vmul.f32 v10, v28;
	v61 =	vadd.s32 v0, v50;
	v12 =	vand.u32 $0xFFFFFC00, v12;
	v24 =	vld.idx.msk [tilespmem:v53+s28+$0x0], $0xffff;
	[tilespmem:s29+$0xFFFFFEB0] =	vst v4  }
0x14a: {  	v35 =	vshll.u32 v6, $0x3;
	v25 =	vadd.s32 v0, v59;
	v53 =	vor.u32 v13, v12;
	v4 =	vld [tilespmem:$0x1FF10]  }
0x14b: {  	v13 =	vadd.s32 v3, v30;
	v30 =	vadd.f32 v10, v57;
	v10 =	vshll.u32 v19, $0x3;
	v12 =	vld [tilespmem:s21+$0xFFFFFFD0]  }
0x14c: {  	v6 =	vand.u32 $0x7F, v6;
	v35 =	vand.u32 $0xFFFFFC00, v35;
	v56 =	vand.u32 $0xFFFFFC00, v10;
	v10 =	vld [tilespmem:s21+$0xFFFFFFE0];
	[tilespmem:s30+$0xFFFFFFA0] =	vst v15  }
0x14d: {  	v8 =	vld.idx.msk [tilespmem:v5+s28+$0x0], $0xffff;
	v5 =	vadd.s32 v3, v14;
	v14 =	vand.u32 $0x7F, v19;
	v57 =	vor.u32 v6, v35;
	[tilespmem:s0+$0x1A0] =	vst v30  }
0x14e: {  	v32 =	vadd.s32 v0, v57;
	v56 =	vor.u32 v14, v56;
	v6 =	vld.idx.msk [tilespmem:v61+s28+$0x0], $0xffff;
	[tilespmem:s29+$0xFFFFFFB0] =	vst v29  }
0x14f: {  	v14 =	vshll.u32 v49, $0x3;
	v19 =	vld.idx.msk [tilespmem:v25+s28+$0x0], $0xffff;
	v9 =	vmul.f32 v9, v11;
	[tilespmem:s29+$0xFFFFFF30] =	vst v4;
	v4 =	vadd.s32 v0, v53  }
0x150: {  	v25 =	vsub.f32 $1.000000000e+00, v11;
	v29 =	vand.u32 $0xFFFFFC00, v14;
	[tilespmem:s30+$0x20] =	vst v26;
	v15 =	vld [tilespmem:s21+$0xFFFFFFF0];
	v26 =	vadd.s32 v0, v56  }
0x151: {  	v30 =	vand.u32 $0x7F, v49;
	[tilespmem:s29+$0x30] =	vst v27;
	v27 =	vmul.f32 v20, v12;
	v20 =	vmovc v11;
	v11 =	vsub.f32 $1.000000000e+00, v10;
	v35 =	vld.idx.msk [tilespmem:v13+s28+$0x0], $0xffff  }
0x152: {  	v8 =	vmul.f32 v25, v8;
	v13 =	vsub.f32 $1.000000000e+00, v12;
	v5 =	vld.idx.msk [tilespmem:v5+s28+$0x0], $0xffff;
	v61 =	vor.u32 v30, v29  }
0x153: {  	v16 =	vmul.f32 v16, v10;
	[tilespmem:s30+$0xA0] =	vst v31;
	v14 =	vld [tilespmem:s21+$0x0];
	v6 =	vmul.f32 v11, v6;
	v29 =	vadd.s32 v0, v61  }
0x154: {  	[tilespmem:s29+$0xB0] =	vst v18;
	v31 =	vadd.s32 v1, v59;
	v19 =	vmul.f32 v13, v19;
	v4 =	vld.idx.msk [tilespmem:v4+s28+$0x0], $0xffff  }
0x155: {  	v8 =	vadd.f32 v9, v8;
	[tilespmem:s30+$0x120] =	vst v7;
	v6 =	vadd.f32 v16, v6;
	v0 =	vld [tilespmem:s21+$0x10]  }
0x156: {  	v9 =	vadd.f32 v27, v19;
	v27 =	vadd.s32 v1, v51;
	v7 =	vld.idx.msk [tilespmem:v26+s28+$0x0], $0xffff;
	v26 =	vadd.s32 v1, v39  }
0x157: {  	[tilespmem:s0+$0xFFFFFE00] =	vst v8;
	v30 =	vld.idx.msk [tilespmem:v32+s28+$0x0], $0xffff;
	v18 =	vsub.f32 $1.000000000e+00, v15;
	v17 =	vmul.f32 v35, v17;
	v5 =	vmul.f32 v5, v28  }
0x158: {  	v8 =	vmul.f32 v21, v15;
	v21 =	vadd.s32 v1, v41;
	[tilespmem:s0+$0xFFFFFE80] =	vst v9;
	v9 =	vld.idx.msk [tilespmem:v29+s28+$0x0], $0xffff  }
0x159: {  	v5 =	vadd.f32 v5, v17;
	v17 =	vadd.s32 v1, v50;
	v29 =	vld.idx.msk [tilespmem:v31+s28+$0x0], $0xffff;
	v4 =	vmul.f32 v18, v4  }
0x15a: {  	v28 =	vmov v0;
	v0 =	vld [tilespmem:s21+$0x20]  }
0x15b: {  	[tilespmem:s0+$0xFFFFFF00] =	vst v6;
	v6 =	vld.idx.msk [tilespmem:v27+s28+$0x0], $0xffff;
	v4 =	vadd.f32 v8, v4;
	v8 =	vadd.s32 v1, v42  }
0x15c: {  	v16 =	vsub.f32 $1.000000000e+00, v14;
	v26 =	vld.idx.msk [tilespmem:v26+s28+$0x0], $0xffff  }
0x15d: {  	v49 =	vadd.s32 v1, v53;
	v19 =	vmov v10;
	[tilespmem:s0+$0x1B0] =	vst v5;
	v5 =	vld.idx.msk [tilespmem:v21+s28+$0x0], $0xffff;
	v10 =	vsub.f32 $1.000000000e+00, v28  }
0x15e: {  	v23 =	vmul.f32 v23, v14;
	v7 =	vmul.f32 v16, v7;
	v17 =	vld.idx.msk [tilespmem:v17+s28+$0x0], $0xffff;
	[tilespmem:s0+$0xFFFFFF80] =	vst v4  }
0x15f: {  	v21 =	vadd.s32 v1, v43;
	v31 =	vmul.f32 v10, v30;
	v30 =	vmovc v0;
	v35 =	vsub.f32 $1.000000000e+00, v0;
	v0 =	vld [tilespmem:$0x1FF20]  }
0x160: {  	v22 =	vmul.f32 v22, v28;
	v8 =	vld.idx.msk [tilespmem:v8+s28+$0x0], $0xffff  }
0x161: {  	v7 =	vadd.f32 v23, v7;
	v23 =	vmul.f32 v24, v30;
	v9 =	vmul.f32 v35, v9  }
0x162: {  	v6 =	vmul.f32 v6, v25;
	v26 =	vmul.f32 v26, v20;
	v4 =	vadd.f32 v22, v31  }
0x163: {  	v29 =	vmul.f32 v29, v13;
	[tilespmem:s0+$0x0] =	vst v7;
	v7 =	vadd.f32 v23, v9;
	v9 =	vld.idx.msk [tilespmem:v49+s28+$0x0], $0xffff  }
0x164: {  	v5 =	vmul.f32 v5, v12;
	[tilespmem:s0+$0x80] =	vst v4;
	v4 =	vadd.f32 v26, v6;
	v6 =	vld.idx.msk [tilespmem:v21+s28+$0x0], $0xffff  }
0x165: {  	v17 =	vmul.f32 v17, v11;
	v22 =	vadd.s32 v3, v0;
	v0 =	vld [tilespmem:$0x1FF30];
	v8 =	vmul.f32 v8, v19  }
0x166: {  	[tilespmem:s0+$0xFFFFFE10] =	vst v4;
	v4 =	vadd.f32 v5, v29  }
0x167: {  	v24 =	vadd.s32 v1, v56;
	[tilespmem:s0+$0x100] =	vst v7;
	v5 =	vadd.f32 v8, v17  }
0x168: {  	v31 =	vadd.s32 v1, v44;
	[tilespmem:s0+$0xFFFFFE90] =	vst v4  }
0x169: {  	v9 =	vmul.f32 v9, v18;
	[tilespmem:s0+$0xFFFFFF10] =	vst v5  }
0x16a: {  	v27 =	vadd.s32 v3, v40;
	v6 =	vmul.f32 v6, v15;
	v40 =	vmul.f32 v46, v0;
	v0 =	vld [tilespmem:$0x1FF40];
	_ =	sdelay $0x1  }
0x16b: {  	v24 =	vld.idx.msk [tilespmem:v24+s28+$0x0], $0xffff;
	v5 =	vadd.f32 v6, v9  }
0x16c: {  	v23 =	vadd.s32 v1, v57;
	v7 =	vld.idx.msk [tilespmem:v31+s28+$0x0], $0xffff  }
0x16d: {  	v21 =	vadd.s32 v1, v45;
	[tilespmem:s0+$0xFFFFFF90] =	vst v5  }
0x16e: {  	v6 =	vadd.s32 v3, v0;
	v0 =	vld [tilespmem:$0x1FF50];
	_ =	sdelay $0x2  }
0x16f: {  	v26 =	vadd.s32 v3, v38;
	v24 =	vmul.f32 v24, v16;
	v8 =	vld.idx.msk [tilespmem:v23+s28+$0x0], $0xffff;
	v7 =	vmul.f32 v7, v14  }
0x170: {  	v31 =	vadd.s32 v1, v47;
	v17 =	vld.idx.msk [tilespmem:v21+s28+$0x0], $0xffff  }
0x171: {  	v7 =	vadd.f32 v7, v24;
	v24 =	vmul.f32 v58, v0;
	v0 =	vld [tilespmem:$0x1FF60]  }
0x172: {  	v23 =	vadd.s32 v2, v39;
	_ =	sdelay $0x1  }
0x173: {  	v49 =	vadd.s32 v1, v61;
	v29 =	vld.idx.msk [tilespmem:v26+s28+$0x0], $0xffff  }
0x174: {  	v26 =	vmul.f32 v60, v37;
	v31 =	vld.idx.msk [tilespmem:v31+s28+$0x0], $0xffff  }
0x175: {  	v60 =	vmovc v25;
	v8 =	vmul.f32 v8, v10;
	v17 =	vmul.f32 v17, v28;
	v25 =	vadd.f32 v40, v0;
	v0 =	vld [tilespmem:$0x1FF70]  }
0x176: {  	v58 =	vld.idx.msk [tilespmem:v23+s28+$0x0], $0xffff  }
0x177: {  	v23 =	vmov v12;
	v12 =	vld.idx.msk [tilespmem:v6+s28+$0x0], $0xffff;
	v6 =	vadd.f32 v17, v8  }
0x178: {  	v9 =	vld.idx.msk [tilespmem:v49+s28+$0x0], $0xffff;
	[tilespmem:s0+$0x10] =	vst v7  }
0x179: {  	[tilespmem:s0+$0x90] =	vst v6  }
0x17a: {  	v17 =	vadd.s32 v3, v0;
	v0 =	vld [tilespmem:$0x1FF80];
	_ =	sdelay $0x2  }
0x17b: {  	v49 =	vadd.s32 v2, v59;
	v31 =	vmul.f32 v31, v30;
	v9 =	vmul.f32 v9, v35  }
0x17c: {  	v4 =	vmul.f32 v34, v52;
	v52 =	vadd.s32 v2, v50  }
0x17d: {  	v6 =	vadd.f32 v31, v9;
	v31 =	vadd.s32 v3, v0;
	v0 =	vld [tilespmem:$0x1FF90];
	_ =	sdelay $0x1  }
0x17e: {  	v4 =	vadd.f32 v4, v48  }
0x17f: {  	v21 =	vadd.s32 v2, v51;
	v34 =	vld.idx.msk [tilespmem:v49+s28+$0x0], $0xffff  }
0x180: {  	v5 =	vadd.s32 v2, v41;
	v49 =	vld.idx.msk [tilespmem:v52+s28+$0x0], $0xffff;
	[tilespmem:s30+$0xFFFFFE30] =	vst v4  }
0x181: {  	v52 =	vmul.f32 v54, v0;
	v0 =	vld [tilespmem:$0x1FFA0];
	_ =	sdelay $0x1  }
0x182: {  	v8 =	vadd.s32 v2, v42  }
0x183: {  	v21 =	vld.idx.msk [tilespmem:v21+s28+$0x0], $0xffff  }
0x184: {  	v5 =	vld.idx.msk [tilespmem:v5+s28+$0x0], $0xffff  }
0x185: {  	v36 =	vadd.s32 v3, v36;
	v54 =	vadd.s32 v3, v0;
	v0 =	vld.idx.msk [tilespmem:v17+s28+$0x0], $0xffff  }
0x186: {  	v48 =	vadd.s32 v2, v53  }
0x187: {  	v9 =	vadd.s32 v2, v43;
	v8 =	vld.idx.msk [tilespmem:v8+s28+$0x0], $0xffff  }
0x188: {  	v27 =	vld.idx.msk [tilespmem:v27+s28+$0x0], $0xffff;
	v39 =	vadd.s32 v3, v39;
	v46 =	vadd.s32 v2, v45  }
0x189: {  	v22 =	vld.idx.msk [tilespmem:v22+s28+$0x0], $0xffff;
	v21 =	vmul.f32 v21, v60;
	v5 =	vmul.f32 v5, v23;
	v17 =	vadd.s32 v2, v56  }
0x18a: {  	v7 =	vadd.f32 v24, v26;
	v24 =	vmov v13;
	v13 =	vld.idx.msk [tilespmem:v36+s28+$0x0], $0xffff;
	v26 =	vmul.f32 v58, v20;
	[tilespmem:$0x1FFB0] =	vst v0  }
0x18b: {  	v58 =	vadd.s32 v2, v61;
	v36 =	vadd.s32 v3, v44;
	v4 =	vmul.f32 v55, v33;
	v40 =	vld.idx.msk [tilespmem:v48+s28+$0x0], $0xffff  }
0x18c: {  	v21 =	vadd.f32 v26, v21;
	v8 =	vmul.f32 v8, v19;
	v55 =	vadd.s32 v2, v44;
	v9 =	vld.idx.msk [tilespmem:v9+s28+$0x0], $0xffff  }
0x18d: {  	v4 =	vadd.f32 v4, v52;
	[tilespmem:s0+$0x110] =	vst v6;
	v6 =	vmul.f32 v34, v24;
	v38 =	vld.idx.msk [tilespmem:v31+s28+$0x0], $0xffff  }
0x18e: {  	v52 =	vadd.s32 v3, v41;
	v41 =	vadd.s32 v3, v43;
	v31 =	vadd.s32 v2, v57;
	v37 =	vld.idx.msk [tilespmem:v17+s28+$0x0], $0xffff  }
0x18f: {  	v48 =	vadd.s32 v3, v51;
	v0 =	vld [tilespmem:$0x1FFC0];
	[tilespmem:s30+$0xFFFFFEB0] =	vst v7;
	v7 =	vmul.f32 v49, v11;
	v5 =	vadd.f32 v5, v6  }
0x190: {  	s22 =	sshrl.u32 s31, $0x2;
	v32 =	vmov v35;
	v17 =	vmul.f32 v29, v62;
	[tilespmem:s0+$0xFFFFFE20] =	vst v21;
	v6 =	vmul.f32 v22, v63;
	v63 =	vld.idx.msk [tilespmem:v54+s28+$0x0], $0xffff  }
0x191: {  	s14 =	smulhi.u32 $0x34834835, s22;
	v26 =	vmov v10;
	v54 =	vld.idx.msk [tilespmem:v55+s28+$0x0], $0xffff;
	[tilespmem:s0+$0xFFFFFEA0] =	vst v5;
	v5 =	vadd.f32 v8, v7;
	v8 =	vadd.s32 v2, v47  }
0x192: {  	v51 =	vadd.s32 v3, v42;
	v34 =	vadd.s32 v3, v45;
	v45 =	vadd.s32 v3, v61;
	v35 =	vld.idx.msk [tilespmem:v39+s28+$0x0], $0xffff  }
0x193: {  	s31 =	sshrl.u32 s14, $0x3;
	v44 =	vmovc v3;
	v21 =	vmov v11;
	v49 =	vadd.s32 v3, v56;
	v55 =	vadd.s32 v3, v50;
	v29 =	vld.idx.msk [tilespmem:v31+s28+$0x0], $0xffff  }
0x194: {  	s14 =	smul.u32 $0x3FFFB2, s31;
	v50 =	vadd.s32 v3, v53;
	v7 =	vmul.f32 v40, v18;
	v31 =	vld.idx.msk [tilespmem:v58+s28+$0x0], $0xffff;
	v27 =	vmul.f32 v27, v0  }
0x195: {  	v22 =	vmov v14;
	v9 =	vmul.f32 v9, v15;
	v58 =	vadd.s32 v3, v59;
	[tilespmem:s0+$0xFFFFFF20] =	vst v5;
	v5 =	vld.idx.msk [tilespmem:v46+s28+$0x0], $0xffff  }
0x196: {  	s22 =	sadd.s32 s2, s14;
	s15 =	sshll.u32 s26, $0xD;
	v33 =	vmul.f32 v37, v16;
	v0 =	vadd.s32 v3, v47;
	v6 =	vadd.f32 v6, v27;
	v27 =	vld.idx.msk [tilespmem:v8+s28+$0x0], $0xffff  }
0x197: {  	s14 =	simm.s32 $0x10;
	s2 =	sor.u32 $0x10800, s15;
	s15 =	simm.s32 $0x1C0;
	v46 =	vadd.s32 v3, v57;
	v7 =	vadd.f32 v9, v7;
	v37 =	vmul.f32 v54, v14;
	v8 =	vld.idx.msk [tilespmem:v48+s28+$0x0], $0xffff  }
.LBB2_3:
0x198: {  	v1 =	vld [tilespmem:$0x1FE20];
	_ =	sdelay $0x4  }
0x199: {  	[tilespmem:$0x1FC50] =	vst v23;
	v23 =	vmul.f32 v12, v1;
	v1 =	vmov v22  }
0x19a: {  	[tilespmem:$0x1FE20] =	vst v1;
	v1 =	vld [tilespmem:$0x1FE60];
	_ =	sdelay $0x3  }
0x19b: {  	v2 =	vld [tilespmem:$0x1FFB0]  }
0x19c: {  	[tilespmem:$0x1FC20] =	vst v24;
	v24 =	vmul.f32 v13, v1;
	v1 =	vld [tilespmem:$0x1FE70];
	_ =	sdelay $0x4  }
0x19d: {  	v17 =	vadd.f32 v23, v17;
	v23 =	vmul.f32 v2, v1;
	v1 =	vld [tilespmem:$0x1FEC0];
	_ =	sdelay $0x1  }
0x19e: {  	v2 =	vmov v26  }
0x19f: {  	[tilespmem:$0x1FE60] =	vst v2;
	v2 =	vld.idx.msk [tilespmem:v58+s28+$0x0], $0xffff  }
0x1a0: {  	[tilespmem:$0x1FBF0] =	vst v20  }
0x1a1: {  	[tilespmem:$0x1FCD0] =	vst v19;
	v1 =	vmul.f32 v38, v1  }
0x1a2: {  	[tilespmem:$0x1FCA0] =	vst v21  }
0x1a3: {  	[tilespmem:$0x1FC70] =	vst v1;
	v1 =	vmul.f32 v8, v60  }
0x1a4: {  	[tilespmem:$0x1FC30] =	vst v2;
	v2 =	vld.idx.msk [tilespmem:v52+s28+$0x0], $0xffff  }
0x1a5: {  	[tilespmem:$0x1FC10] =	vst v1;
	v1 =	vld [tilespmem:$0x1FED0]  }
0x1a6: {  	[tilespmem:$0x1FD20] =	vst v18  }
0x1a7: {  	v39 =	vld [tilespmem:s15+$0x30];
	[tilespmem:s0+$0xFFFFFFA0] =	vst v7  }
0x1a8: {  	[tilespmem:s30+$0xFFFFFFB0] =	vst v6  }
0x1a9: {  	[tilespmem:s30+$0xFFFFFF30] =	vst v4;
	v7 =	vadd.f32 v37, v33;
	v6 =	vld [tilespmem:s15+$0xFFFFFFF0];
	v29 =	vmul.f32 v29, v26  }
0x1aa: {  	v20 =	vmul.f32 v5, v28;
	[tilespmem:$0x1FC60] =	vst v2;
	v2 =	vld.idx.msk [tilespmem:v55+s28+$0x0], $0xffff;
	v10 =	vmul.f32 v63, v1;
	v1 =	vmov v32  }
0x1ab: {  	v31 =	vmul.f32 v31, v32;
	[tilespmem:$0x1FEC0] =	vst v1;
	v1 =	vld [tilespmem:$0x1FFD0]  }
0x1ac: {  	[tilespmem:s0+$0x20] =	vst v7;
	v5 =	vld [tilespmem:s15+$0xFFFFFFE0];
	v22 =	vadd.s32 $0x1, v39;
	v7 =	vadd.f32 v20, v29;
	v20 =	vmul.f32 v27, v30  }
0x1ad: {  	v21 =	vld [tilespmem:s15+$0x0];
	v18 =	vand.u32 $0x7F, v39;
	[tilespmem:s30+$0x30] =	vst v17;
	v8 =	vadd.f32 v23, v24;
	v23 =	vshll.u32 v39, $0x3  }
0x1ae: {  	v17 =	vld [tilespmem:s15+$0x10];
	[tilespmem:s0+$0xA0] =	vst v7;
	v7 =	vadd.f32 v20, v31;
	v20 =	vshll.u32 v22, $0x3;
	v19 =	vand.u32 $0xFFFFFC00, v23  }
0x1af: {  	v57 =	vor.u32 v18, v19;
	v18 =	vand.u32 $0x7F, v22;
	v19 =	vand.u32 $0xFFFFFC00, v20;
	[tilespmem:$0x1FCB0] =	vst v2;
	v2 =	vld.idx.msk [tilespmem:v51+s28+$0x0], $0xffff  }
0x1b0: {  	v59 =	vor.u32 v18, v19;
	v20 =	vadd.s32 v1, v57  }
0x1b1: {  	v4 =	vld [tilespmem:s15+$0xFFFFFFD0];
	v18 =	vadd.s32 v1, v59  }
0x1b2: {  	s21 =	sadd.s32 $0x80, s21;
	v53 =	vshll.u32 v6, $0x3;
	v24 =	vld [tilespmem:s15+$0x20]  }
0x1b3: {  	[tilespmem:$0x1FD70] =	vst v15;
	v47 =	vshll.u32 v5, $0x3;
	v53 =	vand.u32 $0xFFFFFC00, v53;
	v51 =	vld [tilespmem:s21+$0x30]  }
0x1b4: {  	v15 =	vand.u32 $0x7F, v21;
	v11 =	vand.u32 $0xFFFFFC00, v47;
	v56 =	vshll.u32 v17, $0x3;
	[tilespmem:$0x1FCE0] =	vst v2;
	v2 =	vld.idx.msk [tilespmem:v50+s28+$0x0], $0xffff  }
0x1b5: {  	v47 =	vand.u32 $0x7F, v5;
	v56 =	vand.u32 $0xFFFFFC00, v56;
	v26 =	vadd.s32 $0x1, v17;
	v43 =	vld.idx.msk [tilespmem:v20+s28+$0x0], $0xffff  }
0x1b6: {  	v17 =	vand.u32 $0x7F, v17;
	v33 =	vshll.u32 v26, $0x3;
	[tilespmem:s0+$0x120] =	vst v7;
	v7 =	vadd.s32 $0x1, v4;
	v54 =	vld.idx.msk [tilespmem:v18+s28+$0x0], $0xffff  }
0x1b7: {  	v26 =	vand.u32 $0x7F, v26;
	v33 =	vand.u32 $0xFFFFFC00, v33;
	v23 =	vshll.u32 v7, $0x3;
	v18 =	vld [tilespmem:$0x1FFE0]  }
0x1b8: {  	[tilespmem:s29+$0x130] =	vst v25;
	v25 =	vadd.s32 $0x1, v21;
	v62 =	vand.u32 $0x7F, v7;
	v22 =	vadd.s32 $0x1, v6  }
0x1b9: {  	v31 =	vshll.u32 v25, $0x3;
	v23 =	vand.u32 $0xFFFFFC00, v23;
	v25 =	vand.u32 $0x7F, v25  }
0x1ba: {  	v6 =	vand.u32 $0x7F, v6;
	v19 =	vadd.s32 $0x1, v5;
	v52 =	vsub.f32 $1.000000000e+00, v51;
	[tilespmem:$0x1FD30] =	vst v2;
	v2 =	vld.idx.msk [tilespmem:v41+s28+$0x0], $0xffff  }
0x1bb: {  	v9 =	vmovc v28;
	[tilespmem:s30+$0xB0] =	vst v8;
	v8 =	vld [tilespmem:s15+$0xFFFFFFC0];
	v28 =	vshll.u32 v22, $0x3;
	v31 =	vand.u32 $0xFFFFFC00, v31;
	v5 =	vor.u32 v62, v23  }
0x1bc: {  	v48 =	vld [tilespmem:s21+$0xFFFFFFC0];
	v7 =	vmul.f32 v52, v43;
	v32 =	vmul.f32 v54, v51;
	v38 =	vadd.s32 v18, v57  }
0x1bd: {  	v3 =	vmovc v30;
	[tilespmem:$0x1FE70] =	vst v9;
	v9 =	vld [tilespmem:s21+$0xFFFFFFF0];
	v27 =	vshll.u32 v19, $0x3;
	v55 =	vshll.u32 v21, $0x3;
	v12 =	vadd.s32 v18, v59  }
0x1be: {  	v39 =	vld [tilespmem:s21+$0xFFFFFFD0];
	[tilespmem:$0x1FED0] =	vst v3;
	v29 =	vadd.s32 $0x1, v24;
	v58 =	vshll.u32 v24, $0x3;
	v7 =	vadd.f32 v32, v7  }
0x1bf: {  	s29 =	smov.u32 s30;
	s30 =	smov.u32 s0;
	s0 =	sadd.s32 $0x400, s0;
	v13 =	vand.u32 $0xFFFFFC00, v55;
	v42 =	vshll.u32 v29, $0x3;
	v14 =	vand.u32 $0xFFFFFC00, v58;
	[tilespmem:$0x1FD60] =	vst v2;
	v2 =	vld.idx.msk [tilespmem:v49+s28+$0x0], $0xffff  }
0x1c0: {  	v3 =	vld [tilespmem:s21+$0x0];
	v29 =	vand.u32 $0x7F, v29;
	v30 =	vadd.s32 $0x1, v8;
	v37 =	vshll.u32 v8, $0x3;
	[tilespmem:s0+$0x180] =	vst v7  }
0x1c1: {  	[tilespmem:$0x1FC00] =	vst v35;
	v35 =	vand.u32 $0xFFFFFC00, v42;
	v8 =	vand.u32 $0x7F, v8;
	v63 =	vor.u32 v26, v33;
	v54 =	vld.idx.msk [tilespmem:v38+s28+$0x0], $0xffff  }
0x1c2: {  	v40 =	vshll.u32 v30, $0x3;
	v61 =	vand.u32 $0xFFFFFC00, v37;
	v30 =	vand.u32 $0x7F, v30;
	v12 =	vld.idx.msk [tilespmem:v12+s28+$0x0], $0xffff  }
0x1c3: {  	v58 =	vor.u32 v29, v35;
	v60 =	vand.u32 $0xFFFFFC00, v40;
	v50 =	vor.u32 v6, v53;
	v38 =	vld [tilespmem:$0x1FFF0]  }
0x1c4: {  	v62 =	vor.u32 v8, v61;
	v35 =	vadd.s32 v1, v50;
	v20 =	vshll.u32 v4, $0x3;
	[tilespmem:$0x1FD80] =	vst v2;
	v2 =	vld.idx.msk [tilespmem:v36+s28+$0x0], $0xffff  }
0x1c5: {  	v0 =	vld.idx.msk [tilespmem:v0+s28+$0x0], $0xffff;
	[tilespmem:$0x1FC80] =	vst v10;
	v10 =	vand.u32 $0xFFFFFC00, v20;
	v43 =	vand.u32 $0x7F, v19;
	v49 =	vand.u32 $0x7F, v4  }
0x1c6: {  	v37 =	vld [tilespmem:s21+$0x10];
	v7 =	vor.u32 v30, v60;
	v60 =	vor.u32 v17, v56;
	v17 =	vadd.s32 v1, v63  }
0x1c7: {  	v40 =	vld [tilespmem:s21+$0xFFFFFFE0];
	v55 =	vor.u32 v49, v10;
	v49 =	vor.u32 v47, v11;
	v11 =	vadd.s32 v1, v7  }
0x1c8: {  	v19 =	vld [tilespmem:s21+$0x20];
	v6 =	vmul.f32 v54, v52;
	v8 =	vmul.f32 v12, v51;
	v10 =	vadd.s32 v38, v57  }
0x1c9: {  	v22 =	vand.u32 $0x7F, v22;
	v28 =	vand.u32 $0xFFFFFC00, v28;
	v36 =	vor.u32 v25, v31;
	[tilespmem:$0x1FD00] =	vst v2;
	v2 =	vld.idx.msk [tilespmem:v46+s28+$0x0], $0xffff  }
0x1ca: {  	v25 =	vld.idx.msk [tilespmem:v35+s28+$0x0], $0xffff;
	v46 =	vor.u32 v15, v13;
	v13 =	vadd.s32 v38, v59;
	v6 =	vadd.f32 v8, v6  }
0x1cb: {  	[tilespmem:$0x1FBB0] =	vst v0;
	v29 =	vadd.s32 v1, v58;
	v41 =	vor.u32 v22, v28;
	v22 =	vld.idx.msk [tilespmem:v17+s28+$0x0], $0xffff  }
0x1cc: {  	v0 =	vadd.s32 v1, v60;
	v11 =	vld.idx.msk [tilespmem:v11+s28+$0x0], $0xffff;
	[tilespmem:s0+$0x190] =	vst v6  }
0x1cd: {  	[tilespmem:$0x1FD90] =	vst v16;
	v31 =	vadd.s32 v1, v62;
	v6 =	vld.idx.msk [tilespmem:v10+s28+$0x0], $0xffff  }
0x1ce: {  	v27 =	vand.u32 $0xFFFFFC00, v27;
	v42 =	vadd.s32 v18, v62;
	v12 =	vadd.s32 v1, v5;
	[tilespmem:$0x1FD10] =	vst v2;
	v2 =	vld.idx.msk [tilespmem:v34+s28+$0x0], $0xffff  }
0x1cf: {  	v4 =	vor.u32 v43, v27;
	v32 =	vadd.s32 v1, v55;
	v17 =	vadd.s32 v44, v57;
	v13 =	vld.idx.msk [tilespmem:v13+s28+$0x0], $0xffff  }
0x1d0: {  	v33 =	vmovc v9;
	v54 =	vsub.f32 $1.000000000e+00, v9;
	v9 =	vadd.s32 v18, v41;
	v57 =	vld.idx.msk [tilespmem:v29+s28+$0x0], $0xffff;
	v15 =	vadd.s32 v1, v41  }
0x1d1: {  	v43 =	vadd.s32 v18, v55;
	v0 =	vld.idx.msk [tilespmem:v0+s28+$0x0], $0xffff;
	[tilespmem:$0x1FBA0] =	vst v9;
	v9 =	vadd.s32 v18, v36  }
0x1d2: {  	v26 =	vsub.f32 $1.000000000e+00, v37;
	v31 =	vld.idx.msk [tilespmem:v31+s28+$0x0], $0xffff;
	v8 =	vadd.s32 v1, v36;
	[tilespmem:$0x1FBC0] =	vst v9;
	v9 =	vadd.s32 v18, v63  }
0x1d3: {  	v30 =	vand.u32 $0x7F, v24;
	v12 =	vld.idx.msk [tilespmem:v12+s28+$0x0], $0xffff;
	v34 =	vadd.s32 v1, v49;
	v6 =	vmul.f32 v6, v52;
	[tilespmem:$0x1FFB0] =	vst v2  }
0x1d4: {  	v2 =	vld.idx.msk [tilespmem:v45+s28+$0x0], $0xffff;
	v45 =	vor.u32 v30, v14;
	v14 =	vadd.s32 v1, v4;
	v13 =	vmul.f32 v13, v51  }
0x1d5: {  	v21 =	vsub.f32 $1.000000000e+00, v48;
	v59 =	vadd.s32 v44, v59;
	v16 =	vadd.s32 v1, v46;
	[tilespmem:$0x1FBD0] =	vst v9;
	v15 =	vld.idx.msk [tilespmem:v15+s28+$0x0], $0xffff  }
0x1d6: {  	v22 =	vmul.f32 v22, v37;
	v0 =	vmul.f32 v26, v0;
	v6 =	vadd.f32 v13, v6;
	v13 =	vld.idx.msk [tilespmem:v32+s28+$0x0], $0xffff  }
0x1d7: {  	v9 =	vadd.s32 v18, v58;
	v11 =	vmul.f32 v11, v48;
	v31 =	vmul.f32 v21, v31;
	v8 =	vld.idx.msk [tilespmem:v8+s28+$0x0], $0xffff  }
0x1d8: {  	v61 =	vsub.f32 $1.000000000e+00, v39;
	v47 =	vadd.s32 v18, v49;
	[tilespmem:$0x1FBE0] =	vst v9;
	v0 =	vadd.f32 v22, v0;
	v34 =	vld.idx.msk [tilespmem:v34+s28+$0x0], $0xffff  }
0x1d9: {  	v28 =	vmov v19;
	v11 =	vadd.f32 v11, v31;
	v10 =	vadd.s32 v1, v45;
	[tilespmem:s0+$0x1A0] =	vst v6;
	v14 =	vld.idx.msk [tilespmem:v14+s28+$0x0], $0xffff  }
0x1da: {  	v23 =	vsub.f32 $1.000000000e+00, v19;
	v9 =	vadd.s32 v18, v50;
	[tilespmem:s0+$0x80] =	vst v0;
	v1 =	vadd.s32 v18, v7;
	v19 =	vld.idx.msk [tilespmem:v17+s28+$0x0], $0xffff  }
0x1db: {  	v12 =	vmul.f32 v12, v39;
	[tilespmem:s0+$0xFFFFFE00] =	vst v11;
	v59 =	vld.idx.msk [tilespmem:v59+s28+$0x0], $0xffff;
	v13 =	vmul.f32 v61, v13  }
0x1dc: {  	v56 =	vsub.f32 $1.000000000e+00, v40;
	v16 =	vld.idx.msk [tilespmem:v16+s28+$0x0], $0xffff;
	v6 =	vadd.s32 v38, v5;
	[tilespmem:$0x1FD50] =	vst v2;
	v2 =	vadd.s32 v18, v5  }
0x1dd: {  	v0 =	vld [tilespmem:$0x1FBA0];
	v30 =	vadd.s32 v18, v4;
	[tilespmem:$0x1FC40] =	vst v6;
	v6 =	vadd.s32 v38, v4;
	v13 =	vadd.f32 v12, v13  }
0x1de: {  	v34 =	vmul.f32 v56, v34;
	[tilespmem:$0x1FC90] =	vst v6;
	v10 =	vld.idx.msk [tilespmem:v10+s28+$0x0], $0xffff;
	v14 =	vmul.f32 v14, v40  }
0x1df: {  	v15 =	vmul.f32 v15, v33;
	v6 =	vadd.s32 v38, v41;
	v1 =	vld.idx.msk [tilespmem:v1+s28+$0x0], $0xffff;
	[tilespmem:s0+$0xFFFFFE80] =	vst v13  }
0x1e0: {  	v11 =	vadd.f32 v14, v34;
	v14 =	vmul.f32 v19, v52;
	v19 =	vmul.f32 v59, v51;
	v59 =	vld.idx.msk [tilespmem:v42+s28+$0x0], $0xffff  }
0x1e1: {  	v53 =	vsub.f32 $1.000000000e+00, v3;
	[tilespmem:$0x1FCC0] =	vst v6;
	v6 =	vadd.s32 v38, v36;
	v13 =	vmul.f32 v54, v25;
	v2 =	vld.idx.msk [tilespmem:v2+s28+$0x0], $0xffff  }
0x1e2: {  	v8 =	vmul.f32 v8, v3;
	[tilespmem:$0x1FCF0] =	vst v6;
	v6 =	vadd.s32 v38, v63;
	v34 =	vadd.s32 v44, v63;
	v63 =	vld [tilespmem:$0x1FBB0]  }
0x1e3: {  	v52 =	vadd.s32 v44, v5;
	v5 =	vadd.f32 v15, v13;
	v15 =	vld [tilespmem:$0x1FBF0];
	[tilespmem:s0+$0xFFFFFF00] =	vst v11;
	v11 =	vmul.f32 v53, v16  }
0x1e4: {  	v24 =	vadd.s32 v18, v46;
	v20 =	vmul.f32 v57, v28;
	v16 =	vld.idx.msk [tilespmem:v43+s28+$0x0], $0xffff  }
0x1e5: {  	v22 =	vmov v3;
	v10 =	vmul.f32 v23, v10;
	v3 =	vld.idx.msk [tilespmem:v30+s28+$0x0], $0xffff;
	v8 =	vadd.f32 v8, v11  }
0x1e6: {  	v1 =	vmul.f32 v1, v48;
	v51 =	vadd.s32 v44, v4;
	[tilespmem:s0+$0xFFFFFF80] =	vst v5;
	v11 =	vld.idx.msk [tilespmem:v47+s28+$0x0], $0xffff  }
0x1e7: {  	v4 =	vadd.f32 v20, v10;
	v5 =	vmul.f32 v59, v21;
	[tilespmem:s0+$0x0] =	vst v8;
	v8 =	vld.idx.msk [tilespmem:v9+s28+$0x0], $0xffff  }
0x1e8: {  	v27 =	vadd.s32 v18, v60;
	v32 =	vadd.s32 v18, v45;
	v18 =	vmov v28;
	v9 =	vld.idx.msk [tilespmem:v0+s28+$0x0], $0xffff  }
0x1e9: {  	[tilespmem:s0+$0x100] =	vst v4;
	v2 =	vmul.f32 v2, v39;
	v4 =	vmul.f32 v16, v61;
	v1 =	vadd.f32 v1, v5;
	v5 =	vld [tilespmem:$0x1FBC0]  }
0x1ea: {  	[tilespmem:$0x1FD40] =	vst v6;
	v6 =	vadd.s32 v38, v55;
	v30 =	vmov v18;
	v18 =	vld [tilespmem:$0x1FC80]  }
0x1eb: {  	v11 =	vmul.f32 v11, v56;
	[tilespmem:s0+$0xFFFFFE10] =	vst v1;
	v1 =	vadd.f32 v2, v4;
	v2 =	vmul.f32 v3, v40;
	v3 =	vld [tilespmem:$0x1FBD0]  }
0x1ec: {  	v13 =	vld.idx.msk [tilespmem:v24+s28+$0x0], $0xffff  }
0x1ed: {  	v16 =	vld [tilespmem:$0x1FC00];
	v4 =	vmul.f32 v8, v54;
	[tilespmem:s0+$0xFFFFFE90] =	vst v1;
	v1 =	vadd.f32 v2, v11;
	v2 =	vmul.f32 v9, v33  }
0x1ee: {  	v9 =	vld [tilespmem:$0x1FBE0]  }
0x1ef: {  	[tilespmem:s0+$0xFFFFFF10] =	vst v1;
	v1 =	vadd.f32 v2, v4;
	v4 =	vld.idx.msk [tilespmem:v6+s28+$0x0], $0xffff  }
0x1f0: {  	v14 =	vadd.f32 v19, v14;
	v6 =	vld [tilespmem:$0x1FC10]  }
0x1f1: {  	v5 =	vld.idx.msk [tilespmem:v5+s28+$0x0], $0xffff  }
0x1f2: {  	[tilespmem:s0+$0x1B0] =	vst v14;
	v14 =	vld.idx.msk [tilespmem:v27+s28+$0x0], $0xffff  }
0x1f3: {  	v17 =	vadd.s32 v38, v49;
	v15 =	vmul.f32 v16, v15;
	v3 =	vld.idx.msk [tilespmem:v3+s28+$0x0], $0xffff  }
0x1f4: {  	v8 =	vld.idx.msk [tilespmem:v32+s28+$0x0], $0xffff  }
0x1f5: {  	v6 =	vadd.f32 v15, v6;
	v15 =	vld [tilespmem:$0x1FC30]  }
0x1f6: {  	v28 =	vadd.s32 v38, v62;
	v13 =	vmul.f32 v13, v53;
	v9 =	vld.idx.msk [tilespmem:v9+s28+$0x0], $0xffff;
	v2 =	vmul.f32 v5, v22  }
0x1f7: {  	v29 =	vadd.s32 v38, v7;
	v5 =	vmul.f32 v14, v26;
	v14 =	vld [tilespmem:$0x1FC20]  }
0x1f8: {  	[tilespmem:s0+$0xFFFFFF90] =	vst v1;
	v1 =	vadd.f32 v2, v13;
	v2 =	vmul.f32 v3, v37;
	v3 =	vld.idx.msk [tilespmem:v17+s28+$0x0], $0xffff  }
0x1f9: {  	v35 =	vadd.s32 v38, v50;
	v13 =	vld [tilespmem:$0x1FC50]  }
0x1fa: {  	v17 =	vld [tilespmem:$0x1FC60]  }
0x1fb: {  	v11 =	vld.idx.msk [tilespmem:v28+s28+$0x0], $0xffff  }
0x1fc: {  	v16 =	vld.idx.msk [tilespmem:v29+s28+$0x0], $0xffff;
	[tilespmem:s30+$0xFFFFFE30] =	vst v6  }
0x1fd: {  	v8 =	vmul.f32 v8, v23;
	v6 =	vld [tilespmem:$0x1FCE0];
	[tilespmem:s0+$0x10] =	vst v1;
	v1 =	vadd.f32 v2, v5;
	v2 =	vmul.f32 v9, v30  }
0x1fe: {  	v9 =	vld.idx.msk [tilespmem:v35+s28+$0x0], $0xffff  }
0x1ff: {  	v14 =	vmul.f32 v15, v14;
	[tilespmem:s0+$0x90] =	vst v1;
	v1 =	vadd.f32 v2, v8;
	v8 =	vld [tilespmem:$0x1FCF0];
	v13 =	vmul.f32 v17, v13  }
0x200: {  	v12 =	vadd.s32 v38, v60;
	v17 =	vld [tilespmem:$0x1FC70]  }
0x201: {  	v5 =	vmul.f32 v11, v21;
	v11 =	vadd.f32 v13, v14;
	v13 =	vld [tilespmem:$0x1FCA0]  }
0x202: {  	v14 =	vld [tilespmem:$0x1FCB0]  }
0x203: {  	v24 =	vmov v61;
	v15 =	vld [tilespmem:$0x1FC40]  }
0x204: {  	v57 =	vadd.s32 v38, v58;
	v31 =	vadd.s32 v38, v46;
	v2 =	vmul.f32 v4, v24;
	v4 =	vld [tilespmem:$0x1FCD0]  }
0x205: {  	v0 =	vadd.s32 v44, v58;
	v58 =	vadd.s32 v44, v55;
	v55 =	vadd.s32 v44, v49;
	v29 =	vld.idx.msk [tilespmem:v12+s28+$0x0], $0xffff  }
0x206: {  	v20 =	vmovc v48;
	v49 =	vadd.s32 v44, v46;
	v46 =	vadd.s32 v44, v60;
	v25 =	vadd.f32 v18, v17;
	v17 =	vld [tilespmem:$0x1FC90]  }
0x207: {  	v60 =	vmovc v21;
	v21 =	vmov v56;
	v12 =	vld [tilespmem:$0x1FD00];
	v13 =	vmul.f32 v14, v13;
	v14 =	vmul.f32 v16, v20  }
0x208: {  	[tilespmem:s0+$0x110] =	vst v1;
	v1 =	vmul.f32 v3, v21;
	v3 =	vld [tilespmem:$0x1FD20]  }
0x209: {  	v5 =	vadd.f32 v14, v5;
	v14 =	vld.idx.msk [tilespmem:v8+s28+$0x0], $0xffff  }
0x20a: {  	v8 =	vld [tilespmem:$0x1FD30]  }
0x20b: {  	v16 =	vld [tilespmem:$0x1FCC0]  }
0x20c: {  	v15 =	vld.idx.msk [tilespmem:v15+s28+$0x0], $0xffff  }
0x20d: {  	[tilespmem:s30+$0xFFFFFEB0] =	vst v11;
	v11 =	vld [tilespmem:$0x1FD70]  }
0x20e: {  	v18 =	vld.idx.msk [tilespmem:v17+s28+$0x0], $0xffff  }
0x20f: {  	v10 =	vadd.s32 v44, v62;
	v3 =	vmul.f32 v8, v3;
	v8 =	vld [tilespmem:$0x1FD60]  }
0x210: {  	v27 =	vld.idx.msk [tilespmem:v57+s28+$0x0], $0xffff  }
0x211: {  	v32 =	vmov v23;
	v23 =	vmov v39;
	[tilespmem:s0+$0xFFFFFE20] =	vst v5;
	v5 =	vld [tilespmem:$0x1FD40]  }
0x212: {  	v4 =	vmul.f32 v6, v4;
	v6 =	vmul.f32 v15, v23;
	v17 =	vld.idx.msk [tilespmem:v31+s28+$0x0], $0xffff  }
0x213: {  	v7 =	vadd.s32 v44, v7;
	v38 =	vadd.s32 v38, v45;
	v19 =	vmov v40;
	v16 =	vld.idx.msk [tilespmem:v16+s28+$0x0], $0xffff  }
0x214: {  	v2 =	vadd.f32 v6, v2;
	v6 =	vmul.f32 v18, v19;
	v11 =	vmul.f32 v8, v11;
	v8 =	vld.idx.msk [tilespmem:v10+s28+$0x0], $0xffff  }
0x215: {  	s14 =	sadd.s32 $0x8, s14;
	v10 =	vld [tilespmem:$0x1FD90]  }
0x216: {  	p2 =	slt.u32 s14, $0x38;
	v1 =	vadd.f32 v6, v1;
	v6 =	vadd.f32 v11, v3;
	v3 =	vld [tilespmem:$0x1FD80]  }
.Ltmp2:
0x217: {  	v50 =	vadd.s32 v44, v50;
	v4 =	vadd.f32 v4, v13;
	v13 =	vld [tilespmem:$0x1FD10];
	(pc) =	sbr.rel @p2 .LBB2_3-.Ltmp2, $4  }
0x218: {  	v41 =	vadd.s32 v44, v41;
	v36 =	vadd.s32 v44, v36;
	v15 =	vmovc v33;
	v35 =	vld.idx.msk [tilespmem:v7+s28+$0x0], $0xffff;
	v18 =	vmov v54  }
0x219: {  	v31 =	vld.idx.msk [tilespmem:v38+s28+$0x0], $0xffff;
	[tilespmem:s0+$0xFFFFFEA0] =	vst v2;
	v9 =	vmul.f32 v9, v18;
	v2 =	vmul.f32 v16, v15  }
0x21a: {  	v45 =	vadd.s32 v44, v45;
	v28 =	vmovc v37;
	v38 =	vld [tilespmem:$0x1FD50];
	v37 =	vmul.f32 v14, v22;
	v33 =	vmul.f32 v17, v53  }
0x21b: {  	s15 =	sadd.s32 $0x80, s15;
	v5 =	vld.idx.msk [tilespmem:v5+s28+$0x0], $0xffff;
	v16 =	vmov v53;
	[tilespmem:s0+$0xFFFFFF20] =	vst v1;
	v7 =	vadd.f32 v2, v9;
	v17 =	vmul.f32 v3, v10  }
0x21c: {  	_ =	sdelay $0x3  }
0x21d: {  	v1 =	vld.idx.msk [tilespmem:v58+s28+$0x0], $0xffff  }
0x21e: {  	v2 =	vld.idx.msk [tilespmem:v52+s28+$0x0], $0xffff  }
0x21f: {  	v9 =	vld [tilespmem:$0x1FE20]  }
0x220: {  	v10 =	vld.idx.msk [tilespmem:v55+s28+$0x0], $0xffff;
	v47 =	vadd.f32 v37, v33;
	[tilespmem:s30+$0xFFFFFF30] =	vst v4  }
0x221: {  	v11 =	vld.idx.msk [tilespmem:v51+s28+$0x0], $0xffff;
	[tilespmem:s0+$0xFFFFFFA0] =	vst v7  }
0x222: {  	v4 =	vld [tilespmem:$0x1FE60];
	[tilespmem:s0+$0x20] =	vst v47  }
0x223: {  	v50 =	vld.idx.msk [tilespmem:v50+s28+$0x0], $0xffff;
	[tilespmem:s30+$0xFFFFFFB0] =	vst v6  }
0x224: {  	v53 =	vld [tilespmem:$0x1FE70]  }
0x225: {  	v8 =	vmul.f32 v8, v60;
	v56 =	vmul.f32 v35, v20;
	v14 =	vld [tilespmem:$0x1FFB0]  }
0x226: {  	v3 =	vmul.f32 v29, v26;
	v51 =	vld.idx.msk [tilespmem:v41+s28+$0x0], $0xffff;
	v5 =	vmul.f32 v5, v28  }
0x227: {  	v48 =	vmul.f32 v31, v32;
	v54 =	vld.idx.msk [tilespmem:v49+s28+$0x0], $0xffff;
	v8 =	vadd.f32 v56, v8;
	v9 =	vmul.f32 v12, v9  }
0x228: {  	[tilespmem:s29+$0x130] =	vst v25;
	v1 =	vmul.f32 v1, v24;
	v3 =	vadd.f32 v5, v3;
	v5 =	vmul.f32 v27, v30  }
0x229: {  	v2 =	vmul.f32 v2, v23;
	[tilespmem:s0+$0xFFFFFE30] =	vst v8;
	v4 =	vmul.f32 v13, v4;
	v52 =	vadd.f32 v9, v17  }
0x22a: {  	v9 =	vmul.f32 v14, v53;
	[tilespmem:s0+$0xA0] =	vst v3;
	v3 =	vadd.f32 v5, v48;
	v5 =	vld.idx.msk [tilespmem:v36+s28+$0x0], $0xffff  }
0x22b: {  	v1 =	vadd.f32 v2, v1;
	[tilespmem:s30+$0x30] =	vst v52;
	v55 =	vld.idx.msk [tilespmem:v46+s28+$0x0], $0xffff  }
0x22c: {  	v4 =	vadd.f32 v9, v4;
	[tilespmem:s0+$0x120] =	vst v3;
	v3 =	vld.idx.msk [tilespmem:v34+s28+$0x0], $0xffff  }
0x22d: {  	[tilespmem:s0+$0xFFFFFEB0] =	vst v1;
	v0 =	vld.idx.msk [tilespmem:v0+s28+$0x0], $0xffff  }
0x22e: {  	[tilespmem:s30+$0xB0] =	vst v4;
	v4 =	vld.idx.msk [tilespmem:v45+s28+$0x0], $0xffff  }
0x22f: {  	v61 =	vld [tilespmem:$0x1FEC0]  }
0x230: {  	v2 =	vmul.f32 v50, v18;
	v7 =	vmul.f32 v51, v15;
	v62 =	vld [tilespmem:$0x1FED0]  }
0x231: {  	v57 =	vmul.f32 v10, v21;
	v58 =	vmul.f32 v11, v19  }
0x232: {  	v60 =	vmul.f32 v54, v16;
	v1 =	vadd.f32 v7, v2;
	v5 =	vmul.f32 v5, v22  }
0x233: {  	v59 =	vadd.f32 v58, v57;
	v2 =	vmul.f32 v55, v26;
	v3 =	vmul.f32 v3, v28  }
0x234: {  	p2 =	seq.s32 s25, $0x0;
	[tilespmem:s0+$0xFFFFFFB0] =	vst v1;
	v5 =	vadd.f32 v5, v60;
	v0 =	vmul.f32 v0, v30;
	v1 =	vmul.f32 v4, v32  }
0x235: {  	s14 =	smul.u32 @!p2 $0x9E000, s31;
	[tilespmem:s0+$0xFFFFFF30] =	vst v59;
	v2 =	vadd.f32 v3, v2;
	v6 =	vmul.f32 v38, v61;
	v7 =	vmul.f32 v63, v62  }
0x236: {  	s15 =	sshll.u32 @!p2 s22, $0xA;
	[tilespmem:s0+$0x30] =	vst v5;
	v0 =	vadd.f32 v0, v1  }
0x237: {  	s14 =	sadd.s32 @!p2 s14, s15;
	[tilespmem:s0+$0xB0] =	vst v2;
	v3 =	vadd.f32 v7, v6  }
0x238: {  	s21 =	simm.s32 @!p2 $0x13C00;
	s14 =	sshrl.u32 @!p2 s14, $0x3;
	[tilespmem:s0+$0x130] =	vst v0  }
0x239: {  	s15 =	sadd.s32 @!p2 $0x3, s26;
	s0 =	sadd.s32 @!p2 s3, s14;
	s14 =	simm.s32 @!p2 $0x400;
	[tilespmem:s30+$0x130] =	vst v3  }
0x23a: {  	[hbm4b:s0+s14] =	stream.strided.scatter @!p2 [tilespmem:s2], [sflag:s15], $0x2000, s21, s14, $0x38;
	[tilespmem:$0x16800] =	vst v63  }
0x23b: {  	p2 =	slt.u32 s24, s7  }
.Ltmp3:
0x23c: {  	_ = 	snop;
	(pc) =	sbr.rel @p2 .LBB2_2-.Ltmp3, $2  }
0x23d: {  	_ =	sdelay $0x2  }
0x23e: {  	p1 =	por !p1, !p1;
	v3 =	vmov v44  }
0x23f: {  	_ =	swait.ge [sflag:s20], $0x8000  }
0x240: {  	[sflag:s20] =	ssyncset.done $0x0  }
0x241: {  	[sflag:s20] =	ssyncadd.s32 $0xFFFF8000  }
0x242: {  	_ =	swait.ge [sflag:s12], $0x2000  }
.Ltmp4:
0x243: {  	[sflag:s12] =	ssyncset.done $0x0;
	(pc) =	sbr.rel @p0 .LBB2_9-.Ltmp4, $4  }
0x244: {  	[sflag:s12] =	ssyncadd.s32 $0xFFFFE000  }
0x245: {  	_ =	swait.ge [sflag:s13], $0x2000  }
0x246: {  	[sflag:s13] =	ssyncset.done $0x0  }
0x247: {  	v4 =	vld [tilespmem:$0x1FFD0];
	[sflag:s13] =	ssyncadd.s32 $0xFFFFE000  }
0x248: {  	s0 =	simm.s32 $0x0;
	s2 =	rddreg [dreg:$0x4]  }
0x249: {  	[tilespmem:s19], [sflag:$0x5] =	stream.linear.gather [hbm4b:s2+s0], $0x2000, $0x38;
	[tilespmem:$0x16800] =	vst v63  }
0x24a: {  	_ =	swait.ge [sflag:s17], $0x2000  }
0x24b: {  	[sflag:s17] =	ssyncset.done $0x0  }
0x24c: {  	s31 =	simm.s32 $0x0;
	[sflag:s17] =	ssyncadd.s32 $0xFFFFE000  }
0x24d: {  	v0 =	vld [tilespmem:s31+$0x0];
	_ =	sdelay $0x4  }
0x24e: {  	v1 =	vshll.u32 v0, $0x3;
	v2 =	vadd.s32 $0x1, v0  }
0x24f: {  	v7 =	vmovc v3;
	v0 =	vand.u32 $0x7F, v0;
	v1 =	vand.u32 $0xFFFFFC00, v1;
	v3 =	vshll.u32 v2, $0x3  }
0x250: {  	v61 =	vand.u32 $0x7F, v2;
	v0 =	vor.u32 v0, v1;
	v62 =	vand.u32 $0xFFFFFC00, v3  }
0x251: {  	v0 =	vadd.s32 v4, v0;
	v1 =	vor.u32 v61, v62  }
0x252: {  	v1 =	vadd.s32 v4, v1;
	_ =	sdelay $0x2  }
0x253: {  	v63 =	vld [tilespmem:s31+$0x400]  }
0x254: {  	v0 =	vld.idx.msk [tilespmem:v0+s19+$0x0], $0xffff  }
0x255: {  	v1 =	vld.idx.msk [tilespmem:v1+s19+$0x0], $0xffff;
	_ =	sdelay $0x2  }
0x256: {  	v3 =	vsub.f32 $1.000000000e+00, v63;
	_ =	sdelay $0x1  }
0x257: {  	v0 =	vmul.f32 v3, v0;
	v1 =	vmul.f32 v1, v63;
	_ =	sdelay $0x1  }
0x258: {  	v0 =	vadd.f32 v1, v0  }
0x259: {  	s0 =	simm.s32 $0x14800  }
0x25a: {  	s14 =	simm.s32 $0x10;
	s2 =	simm.s32 $0x80;
	[tilespmem:s0+$0x0] =	vst v0  }
.LBB2_7:
0x25b: {  	p1 =	sne.s32 s2, $0xFC0;
	v0 =	vld [tilespmem:s14+$0x0];
	_ =	sdelay $0x4  }
0x25c: {  	v1 =	vshll.u32 v0, $0x3;
	v2 =	vadd.s32 $0x1, v0  }
0x25d: {  	v0 =	vand.u32 $0x7F, v0;
	v1 =	vand.u32 $0xFFFFFC00, v1;
	v3 =	vshll.u32 v2, $0x3  }
0x25e: {  	v0 =	vor.u32 v0, v1;
	v1 =	vand.u32 $0x7F, v2;
	v2 =	vand.u32 $0xFFFFFC00, v3  }
0x25f: {  	v0 =	vadd.s32 v4, v0;
	v1 =	vor.u32 v1, v2  }
0x260: {  	v1 =	vadd.s32 v4, v1;
	_ =	sdelay $0x2  }
0x261: {  	v2 =	vld [tilespmem:s14+$0x400]  }
0x262: {  	v0 =	vld.idx.msk [tilespmem:v0+s19+$0x0], $0xffff  }
0x263: {  	v1 =	vld.idx.msk [tilespmem:v1+s19+$0x0], $0xffff;
	_ =	sdelay $0x3  }
0x264: {  	v3 =	vsub.f32 $1.000000000e+00, v2;
	_ =	sdelay $0x1  }
.Ltmp5:
0x265: {  	v0 =	vmul.f32 v3, v0;
	v1 =	vmul.f32 v1, v2;
	(pc) =	sbr.rel @p1 .LBB2_7-.Ltmp5, $4  }
0x266: {  	_ = 	snop  }
0x267: {  	v0 =	vadd.f32 v1, v0  }
0x268: {  	s0 =	sadd.s32 $0x80, s0  }
0x269: {  	s14 =	sshra.s32 s2, $0x2;
	s2 =	sadd.s32 $0x40, s2;
	[tilespmem:s0+$0x0] =	vst v0  }
0x26a: {  	v0 =	vld [tilespmem:s14+$0x0];
	_ =	sdelay $0x4  }
0x26b: {  	v1 =	vshll.u32 v0, $0x3;
	v2 =	vadd.s32 $0x1, v0  }
0x26c: {  	v0 =	vand.u32 $0x7F, v0;
	v1 =	vand.u32 $0xFFFFFC00, v1;
	v3 =	vshll.u32 v2, $0x3  }
0x26d: {  	v0 =	vor.u32 v0, v1;
	v1 =	vand.u32 $0x7F, v2;
	v2 =	vand.u32 $0xFFFFFC00, v3  }
0x26e: {  	v0 =	vadd.s32 v4, v0;
	v1 =	vor.u32 v1, v2  }
0x26f: {  	v1 =	vadd.s32 v4, v1;
	_ =	sdelay $0x2  }
0x270: {  	v2 =	vld [tilespmem:s14+$0x400]  }
0x271: {  	v0 =	vld.idx.msk [tilespmem:v0+s19+$0x0], $0xffff  }
0x272: {  	v1 =	vld.idx.msk [tilespmem:v1+s19+$0x0], $0xffff;
	_ =	sdelay $0x2  }
0x273: {  	v3 =	vsub.f32 $1.000000000e+00, v2;
	_ =	sdelay $0x1  }
0x274: {  	v0 =	vmul.f32 v3, v0;
	v1 =	vmul.f32 v1, v2;
	_ =	sdelay $0x1  }
0x275: {  	v0 =	vadd.f32 v1, v0  }
0x276: {  	s0 =	sadd.s32 $0x80, s0;
	s30 =	rddreg [dreg:$0x5]  }
.Ltmp6:
0x277: {  	s2 =	simm.s32 $0x13C00;
	s31 =	simm.s32 $0x14800;
	[tilespmem:s0+$0x0] =	vst v0;
	(pc) =	sbr.rel .LBB2_9-.Ltmp6, $4  }
0x278: {  	[hbm4b:s30+s18] =	stream.strided.scatter [tilespmem:s31], [sflag:$0x5], $0x2000, s2, s18, $0x38;
	[tilespmem:$0x16800] =	vst v63  }
0x279: {  	_ =	swait.ge [sflag:s17], $0x2000  }
0x27a: {  	[sflag:s17] =	ssyncset.done $0x0  }
0x27b: {  	v3 =	vmov v7;
	[sflag:s17] =	ssyncadd.s32 $0xFFFFE000  }
.LBB2_10:
0x27c: {  	_ =	sfence.sel $0x180000  }
0x27d: {  	[bflag:$0x0] =	sbarrier.arrive $0xFFFF  }
0x27e: {  	_ =	strace $0x90000047  }
0x27f: {  	s0 =	stileid.u32;
	[bflag:$0x2] =	sbarrier.arrive $0xFFFF  }
0x280: {  	p0 =	sne.s32 s0, $0x0;
	s0 =	rddreg [dreg:$0x3]  }
0x281: {  	s0 =	sadd.s32 @!p0 $0x100000, s0  }
0x282: {  	[sflag:s0] =	ssyncadd.tile.s32 @!p0 $0x1;
	_ =	shalt  }
.Lfunc_end2:
_tile_overlayer_lowered:
.L_overlay_start_2:
0x283: {  	(tag) =	ssettag $0x2  }
0x284: {  	s0 =	rddreg [dreg:$0x0];
	s2 =	stileid.u32  }
0x285: {  	s1 =	rddreg [dreg:$0x1];
	p0 =	sne.s32 s2, $0x0  }
0x286: {  	s3 =	rddreg [dreg:$0x2];
	[bflag:$0x3] =	sbarrier.arrive $0xFFFF;
	s2 =	simm.s32 @!p0 $0x1C05  }
0x287: {  	[timem:s3], [sflag:s2] =	dma.local @!p0 [hbm:s0], s1  }
0x288: {  	s0 =	simm.s32 @!p0 $0x5  }
0x289: {  	_ =	swait.ge @!p0 [sflag:s0], s1  }
0x28a: {  	s1 =	ssub.s32 @!p0 $0x0, s1;
	[sflag:s0] =	ssyncset.done @!p0 $0x0  }
0x28b: {  	[sflag:s0] =	ssyncadd.s32 @!p0 s1  }
0x28c: {  	[bflag:$0x3] =	sbarrier.arrive $0xFFFF  }
0x28d: {  	_ =	shalt  }

</sc_bundles>
